<compile_context>
chip_gen: v7x
topology: tpu7x:2x2x1
jax: 0.10.2.dev20260603
libtpu: 0.0.44.dev20260713+nightly
codegen_flags: <defaults>
</compile_context>

<pallas_src>
import functools

import jax
import jax.numpy as jnp
from jax import lax
from jax.experimental import pallas as pl
from jax.experimental.pallas import tpu as pltpu
from jax.experimental.pallas import tpu_sc as plsc

_NUM_EMB = 512
_DIM = 32
_BETA = 0.25
_TOK = 64 * 1024
_BLK = 4096
_NW = 32
_PER_W = _TOK // _NW


def _vq_tc_body(x_ref, emb_ref, idx_ref, loss_ref):
    xb = x_ref[...]
    emb = emb_ref[...]
    sim2 = lax.dot_general(xb, emb + emb, (((1,), (0,)), ((), ())),
                           preferred_element_type=jnp.float32)
    x2 = jnp.sum(xb * xb, axis=1, keepdims=True)
    e2 = jnp.sum(emb * emb, axis=0, keepdims=True)
    dist = (x2 + e2) - sim2
    m = jnp.min(dist, axis=1, keepdims=True)
    fiota = lax.broadcasted_iota(jnp.int32, dist.shape, 1).astype(jnp.float32)
    idxf = jnp.min(jnp.where(dist == m, fiota, float(_NUM_EMB)), axis=1,
                   keepdims=True)
    idx_ref[...] = idxf.astype(jnp.int32)

    @pl.when(pl.program_id(0) == 0)
    def _():
        loss_ref[0, 0] = 0.0

    loss_ref[0, 0] += jnp.sum(m)


def _tc_stage(x_flat, emb):
    return pl.pallas_call(
        _vq_tc_body,
        grid=(_TOK // _BLK,),
        in_specs=[
            pl.BlockSpec((_BLK, _DIM), lambda i: (i, 0)),
            pl.BlockSpec((_DIM, _NUM_EMB), lambda i: (0, 0)),
        ],
        out_specs=[
            pl.BlockSpec((_BLK, 1), lambda i: (i, 0)),
            pl.BlockSpec((1, 1), lambda i: (0, 0), memory_space=pltpu.SMEM),
        ],
        out_shape=[
            jax.ShapeDtypeStruct((_TOK, 1), jnp.int32),
            jax.ShapeDtypeStruct((1, 1), jnp.float32),
        ],
        compiler_params=pltpu.CompilerParams(
            dimension_semantics=("arbitrary",)),
    )(x_flat, emb)


_JCH = 128
_NJ = _PER_W // _JCH
_SEQ = 1024
_ROWS_W = _PER_W // _SEQ


def _sc_gather_body(tab_ref, idx_ref, out_ref, tab_s, idx_v, rows_v, sem):
    sid = lax.axis_index("s")
    wid = sid * 2 + lax.axis_index("c")

    @pl.when(sid == 0)
    def _():
        pltpu.sync_copy(tab_ref, tab_s)

    pltpu.sync_copy(idx_ref.at[wid], idx_v)
    plsc.subcore_barrier()
    copies = [
        pltpu.async_copy(tab_s.at[idx_v.at[j]],
                         rows_v.at[j // 8, pl.ds((j % 8) * _JCH, _JCH)], sem)
        for j in range(_NJ)
    ]
    for c in copies:
        c.wait()
    pltpu.sync_copy(rows_v, out_ref.at[pl.ds(wid * _ROWS_W, _ROWS_W)])


@functools.cache
def _sc_gather():
    return pl.kernel(
        _sc_gather_body,
        out_type=jax.ShapeDtypeStruct((_TOK // _SEQ, _SEQ, _DIM), jnp.float32),
        mesh=plsc.VectorSubcoreMesh(core_axis_name="c", subcore_axis_name="s"),
        scratch_types=[
            pltpu.VMEM_SHARED((_NUM_EMB, _DIM), jnp.float32),
            pltpu.VMEM((_NJ, _JCH), jnp.int32),
            pltpu.VMEM((_ROWS_W, _SEQ, _DIM), jnp.float32),
            pltpu.SemaphoreType.DMA,
        ],
        compiler_params=pltpu.CompilerParams(
            use_tc_tiling_on_sc=False, needs_layout_passes=False),
    )


def kernel(x, embeddings):
    x_flat = x.reshape(_TOK, _DIM)
    idx, loss_sum = _tc_stage(x_flat, embeddings)
    quantized = _sc_gather()(embeddings.T, idx.reshape(_NW, _NJ, _JCH))
    mean_d = loss_sum[0, 0] / jnp.float32(_TOK * _DIM)
    loss = _BETA * mean_d + mean_d
    return quantized, loss

# --- scband reference (transcript-rebuilt; emitter-appended) ---
"""Pipeline reference for scband-vector-quantizer-71451075936448 (READ-ONLY COPY).

The authoritative reference and input builder live on the scoring server;
editing this copy changes nothing except your own understanding.
"""

import jax, jax.numpy as jnp
import numpy as np

NUM_EMBEDDINGS = 512
EMBEDDING_DIM = 32
BETA = 0.25


def setup_inputs(seed: int = 0) -> dict:
    key = jax.random.key(seed)
    k1, k2 = jax.random.split(key)
    x = jax.random.normal(k1, (64, 1024, 32), dtype=jnp.float32)
    # keras initializers.random_uniform() default: minval=-0.05, maxval=0.05
    embeddings = jax.random.uniform(k2, (EMBEDDING_DIM, NUM_EMBEDDINGS), minval=-0.05, maxval=0.05, dtype=jnp.float32)
    return {"x": x, "embeddings": embeddings}


def reference(x, embeddings):
    input_shape = x.shape
    flattened = x.reshape(-1, EMBEDDING_DIM)
    # get_code_indices
    similarity = jnp.matmul(flattened, embeddings)
    distances = (jnp.sum(flattened ** 2, axis=1, keepdims=True)
                 + jnp.sum(embeddings ** 2, axis=0)
                 - 2.0 * similarity)
    encoding_indices = jnp.argmin(distances, axis=1)
    encodings = jax.nn.one_hot(encoding_indices, NUM_EMBEDDINGS, dtype=flattened.dtype)
    quantized = jnp.matmul(encodings, embeddings.T)
    quantized = quantized.reshape(input_shape)
    commitment_loss = jnp.mean((jax.lax.stop_gradient(quantized) - x) ** 2)
    codebook_loss = jnp.mean((quantized - jax.lax.stop_gradient(x)) ** 2)
    loss = BETA * commitment_loss + codebook_loss
    quantized_st = x + jax.lax.stop_gradient(quantized - x)
    return (quantized_st, loss)

if __name__ == "__main__":
    import jax
    _d = setup_inputs()
    print(jax.jit(kernel)(*tuple(_d.values())))

</pallas_src>

<mosaic_0001>
#map = affine_map<(d0, d1) -> (0, 0)>
#map1 = affine_map<(d0, d1) -> (0, 0, 0)>
module attributes {stable_mosaic.version = 14 : i64} {
  func.func @_sc_gather_body(%arg0: i32, %arg1: i32, %arg2: memref<512x32xf32, #tpu.memory_space<hbm>>, %arg3: memref<32x16x128xi32, #tpu.memory_space<hbm>>, %arg4: memref<64x1024x32xf32, #tpu.memory_space<hbm>>, %arg5: memref<512x32xf32, #tpu.memory_space<vmem_shared>>, %arg6: memref<16x128xi32, #tpu.memory_space<vmem>>, %arg7: memref<2x1024x32xf32, #tpu.memory_space<vmem>>, %arg8: memref<!tpu.dma_semaphore, #tpu.memory_space<semaphore_mem>>) attributes {dimension_semantics = [#tpu.dimension_semantics<core_parallel>, #tpu.dimension_semantics<subcore_parallel>], iteration_bounds = array<i64: 2, 16>, scalar_prefetch = 0 : i64, scratch_operands = 4 : i64, tpu.core_type = #tpu.core_type<sc_vector_subcore>, window_params = [{transform_indices = #map}, {transform_indices = #map1}, {transform_indices = #map1}]} {
    %mul3A = arith.constant 2 : i32
    %mul3A_0 = arith.muli %arg1, %mul3A : i32
    %add3A = arith.addi %mul3A_0, %arg0 : i32
    %eq3A = arith.constant 0 : i32
    %eq3A_1 = arith.cmpi eq, %arg1, %eq3A : i32
    %convert_element_type3A = arith.extui %eq3A_1 : i1 to i32
    %cond3A = arith.constant 0 : i32
    %cond3A_2 = arith.cmpi ne, %convert_element_type3A, %cond3A : i32
    scf.if %cond3A_2 {
      "tpu.region"() ({
        %run_scoped3A = tpu.sem_alloc : memref<!tpu.dma_semaphore, #tpu.memory_space<semaphore_mem>>
        tpu.enqueue_dma source(%arg2 : memref<512x32xf32, #tpu.memory_space<hbm>>) target(%arg5 : memref<512x32xf32, #tpu.memory_space<vmem_shared>>) target_semaphore(%run_scoped3A : memref<!tpu.dma_semaphore, #tpu.memory_space<semaphore_mem>>)
        tpu.wait_dma2 semaphore(%run_scoped3A : memref<!tpu.dma_semaphore, #tpu.memory_space<semaphore_mem>>) src(%arg2 : memref<512x32xf32, #tpu.memory_space<hbm>>) dst(%arg5 : memref<512x32xf32, #tpu.memory_space<vmem_shared>>)
        tpu.yield
      }) : () -> ()
    } else {
    }
    "tpu.region"() ({
      %run_scoped3A = tpu.sem_alloc : memref<!tpu.dma_semaphore, #tpu.memory_space<semaphore_mem>>
      %dma_start3A_387 = arith.constant 0 : i32
      %dma_start3A_388 = arith.constant 0 : i32
      %dma_start3A_389 = tpu.memref_slice %arg3[%add3A, %dma_start3A_387, %dma_start3A_388] : memref<32x16x128xi32, #tpu.memory_space<hbm>> -> memref<1x16x128xi32, #tpu.memory_space<hbm>>
      %dma_start3A_390 = tpu.memref_squeeze %dma_start3A_389 : memref<1x16x128xi32, #tpu.memory_space<hbm>> -> memref<16x128xi32, #tpu.memory_space<hbm>>
      %dma_start3A_391 = arith.constant 0 : i32
      %dma_start3A_392 = arith.constant 0 : i32
      %dma_start3A_393 = tpu.memref_slice %arg3[%add3A, %dma_start3A_391, %dma_start3A_392] : memref<32x16x128xi32, #tpu.memory_space<hbm>> -> memref<1x16x128xi32, #tpu.memory_space<hbm>>
      %dma_start3A_394 = tpu.memref_squeeze %dma_start3A_393 : memref<1x16x128xi32, #tpu.memory_space<hbm>> -> memref<16x128xi32, #tpu.memory_space<hbm>>
      tpu.enqueue_dma source(%dma_start3A_394 : memref<16x128xi32, #tpu.memory_space<hbm>>) target(%arg6 : memref<16x128xi32, #tpu.memory_space<vmem>>) target_semaphore(%run_scoped3A : memref<!tpu.dma_semaphore, #tpu.memory_space<semaphore_mem>>)
      %dma_wait3A_395 = arith.constant 0 : i32
      %dma_wait3A_396 = arith.constant 0 : i32
      %dma_wait3A_397 = tpu.memref_slice %arg3[%add3A, %dma_wait3A_395, %dma_wait3A_396] : memref<32x16x128xi32, #tpu.memory_space<hbm>> -> memref<1x16x128xi32, #tpu.memory_space<hbm>>
      %dma_wait3A_398 = tpu.memref_squeeze %dma_wait3A_397 : memref<1x16x128xi32, #tpu.memory_space<hbm>> -> memref<16x128xi32, #tpu.memory_space<hbm>>
      %dma_wait3A_399 = arith.constant 0 : i32
      %dma_wait3A_400 = arith.constant 0 : i32
      %dma_wait3A_401 = tpu.memref_slice %arg3[%add3A, %dma_wait3A_399, %dma_wait3A_400] : memref<32x16x128xi32, #tpu.memory_space<hbm>> -> memref<1x16x128xi32, #tpu.memory_space<hbm>>
      %dma_wait3A_402 = tpu.memref_squeeze %dma_wait3A_401 : memref<1x16x128xi32, #tpu.memory_space<hbm>> -> memref<16x128xi32, #tpu.memory_space<hbm>>
      tpu.wait_dma2 semaphore(%run_scoped3A : memref<!tpu.dma_semaphore, #tpu.memory_space<semaphore_mem>>) src(%dma_wait3A_402 : memref<16x128xi32, #tpu.memory_space<hbm>>) dst(%arg6 : memref<16x128xi32, #tpu.memory_space<vmem>>)
      tpu.yield
    }) : () -> ()
    %barrier3A = arith.constant 0 : index
    tpu.barrier barrier_id(%barrier3A)
    %dma_start3A = arith.constant 0 : i32
    %dma_start3A_3 = arith.constant 0 : i32
    %dma_start3A_4 = arith.constant 0 : i32
    %dma_start3A_5 = arith.constant 0 : i32
    %dma_start3A_6 = tpu.memref_slice %arg7[%dma_start3A_3, %dma_start3A_4, %dma_start3A_5] : memref<2x1024x32xf32, #tpu.memory_space<vmem>> -> memref<1x128x32xf32, #tpu.memory_space<vmem>>
    %dma_start3A_7 = tpu.memref_squeeze %dma_start3A_6 : memref<1x128x32xf32, #tpu.memory_space<vmem>> -> memref<128x32xf32, #tpu.memory_space<vmem>>
    %dma_start3A_8 = arith.constant 0 : i32
    %dma_start3A_9 = tpu.memref_slice %arg6[%dma_start3A, %dma_start3A_8] : memref<16x128xi32, #tpu.memory_space<vmem>> -> memref<1x128xi32, #tpu.memory_space<vmem>>
    %dma_start3A_10 = tpu.memref_squeeze %dma_start3A_9 : memref<1x128xi32, #tpu.memory_space<vmem>> -> memref<128xi32, #tpu.memory_space<vmem>>
    %dma_start3A_11 = arith.constant 0 : i32
    %dma_start3A_12 = arith.constant 0 : i32
    %dma_start3A_13 = tpu.memref_slice %arg5[%dma_start3A_11, %dma_start3A_12] : memref<512x32xf32, #tpu.memory_space<vmem_shared>> -> memref<512x32xf32, #tpu.memory_space<vmem_shared>>
    tpu.enqueue_indirect_dma source(%dma_start3A_13 : memref<512x32xf32, #tpu.memory_space<vmem_shared>>) target(%dma_start3A_7 : memref<128x32xf32, #tpu.memory_space<vmem>>) offsets(%dma_start3A_10 : memref<128xi32, #tpu.memory_space<vmem>>) semaphore(%arg8 : memref<!tpu.dma_semaphore, #tpu.memory_space<semaphore_mem>>)
    %dma_start3A_14 = arith.constant 1 : i32
    %dma_start3A_15 = arith.constant 0 : i32
    %dma_start3A_16 = arith.constant 128 : i32
    %dma_start3A_17 = arith.constant 0 : i32
    %dma_start3A_18 = tpu.memref_slice %arg7[%dma_start3A_15, %dma_start3A_16, %dma_start3A_17] : memref<2x1024x32xf32, #tpu.memory_space<vmem>> -> memref<1x128x32xf32, #tpu.memory_space<vmem>>
    %dma_start3A_19 = tpu.memref_squeeze %dma_start3A_18 : memref<1x128x32xf32, #tpu.memory_space<vmem>> -> memref<128x32xf32, #tpu.memory_space<vmem>>
    %dma_start3A_20 = arith.constant 0 : i32
    %dma_start3A_21 = tpu.memref_slice %arg6[%dma_start3A_14, %dma_start3A_20] : memref<16x128xi32, #tpu.memory_space<vmem>> -> memref<1x128xi32, #tpu.memory_space<vmem>>
    %dma_start3A_22 = tpu.memref_squeeze %dma_start3A_21 : memref<1x128xi32, #tpu.memory_space<vmem>> -> memref<128xi32, #tpu.memory_space<vmem>>
    %dma_start3A_23 = arith.constant 0 : i32
    %dma_start3A_24 = arith.constant 0 : i32
    %dma_start3A_25 = tpu.memref_slice %arg5[%dma_start3A_23, %dma_start3A_24] : memref<512x32xf32, #tpu.memory_space<vmem_shared>> -> memref<512x32xf32, #tpu.memory_space<vmem_shared>>
    tpu.enqueue_indirect_dma source(%dma_start3A_25 : memref<512x32xf32, #tpu.memory_space<vmem_shared>>) target(%dma_start3A_19 : memref<128x32xf32, #tpu.memory_space<vmem>>) offsets(%dma_start3A_22 : memref<128xi32, #tpu.memory_space<vmem>>) semaphore(%arg8 : memref<!tpu.dma_semaphore, #tpu.memory_space<semaphore_mem>>)
    %dma_start3A_26 = arith.constant 2 : i32
    %dma_start3A_27 = arith.constant 0 : i32
    %dma_start3A_28 = arith.constant 256 : i32
    %dma_start3A_29 = arith.constant 0 : i32
    %dma_start3A_30 = tpu.memref_slice %arg7[%dma_start3A_27, %dma_start3A_28, %dma_start3A_29] : memref<2x1024x32xf32, #tpu.memory_space<vmem>> -> memref<1x128x32xf32, #tpu.memory_space<vmem>>
    %dma_start3A_31 = tpu.memref_squeeze %dma_start3A_30 : memref<1x128x32xf32, #tpu.memory_space<vmem>> -> memref<128x32xf32, #tpu.memory_space<vmem>>
    %dma_start3A_32 = arith.constant 0 : i32
    %dma_start3A_33 = tpu.memref_slice %arg6[%dma_start3A_26, %dma_start3A_32] : memref<16x128xi32, #tpu.memory_space<vmem>> -> memref<1x128xi32, #tpu.memory_space<vmem>>
    %dma_start3A_34 = tpu.memref_squeeze %dma_start3A_33 : memref<1x128xi32, #tpu.memory_space<vmem>> -> memref<128xi32, #tpu.memory_space<vmem>>
    %dma_start3A_35 = arith.constant 0 : i32
    %dma_start3A_36 = arith.constant 0 : i32
    %dma_start3A_37 = tpu.memref_slice %arg5[%dma_start3A_35, %dma_start3A_36] : memref<512x32xf32, #tpu.memory_space<vmem_shared>> -> memref<512x32xf32, #tpu.memory_space<vmem_shared>>
    tpu.enqueue_indirect_dma source(%dma_start3A_37 : memref<512x32xf32, #tpu.memory_space<vmem_shared>>) target(%dma_start3A_31 : memref<128x32xf32, #tpu.memory_space<vmem>>) offsets(%dma_start3A_34 : memref<128xi32, #tpu.memory_space<vmem>>) semaphore(%arg8 : memref<!tpu.dma_semaphore, #tpu.memory_space<semaphore_mem>>)
    %dma_start3A_38 = arith.constant 3 : i32
    %dma_start3A_39 = arith.constant 0 : i32
    %dma_start3A_40 = arith.constant 384 : i32
    %dma_start3A_41 = arith.constant 0 : i32
    %dma_start3A_42 = tpu.memref_slice %arg7[%dma_start3A_39, %dma_start3A_40, %dma_start3A_41] : memref<2x1024x32xf32, #tpu.memory_space<vmem>> -> memref<1x128x32xf32, #tpu.memory_space<vmem>>
    %dma_start3A_43 = tpu.memref_squeeze %dma_start3A_42 : memref<1x128x32xf32, #tpu.memory_space<vmem>> -> memref<128x32xf32, #tpu.memory_space<vmem>>
    %dma_start3A_44 = arith.constant 0 : i32
    %dma_start3A_45 = tpu.memref_slice %arg6[%dma_start3A_38, %dma_start3A_44] : memref<16x128xi32, #tpu.memory_space<vmem>> -> memref<1x128xi32, #tpu.memory_space<vmem>>
    %dma_start3A_46 = tpu.memref_squeeze %dma_start3A_45 : memref<1x128xi32, #tpu.memory_space<vmem>> -> memref<128xi32, #tpu.memory_space<vmem>>
    %dma_start3A_47 = arith.constant 0 : i32
    %dma_start3A_48 = arith.constant 0 : i32
    %dma_start3A_49 = tpu.memref_slice %arg5[%dma_start3A_47, %dma_start3A_48] : memref<512x32xf32, #tpu.memory_space<vmem_shared>> -> memref<512x32xf32, #tpu.memory_space<vmem_shared>>
    tpu.enqueue_indirect_dma source(%dma_start3A_49 : memref<512x32xf32, #tpu.memory_space<vmem_shared>>) target(%dma_start3A_43 : memref<128x32xf32, #tpu.memory_space<vmem>>) offsets(%dma_start3A_46 : memref<128xi32, #tpu.memory_space<vmem>>) semaphore(%arg8 : memref<!tpu.dma_semaphore, #tpu.memory_space<semaphore_mem>>)
    %dma_start3A_50 = arith.constant 4 : i32
    %dma_start3A_51 = arith.constant 0 : i32
    %dma_start3A_52 = arith.constant 512 : i32
    %dma_start3A_53 = arith.constant 0 : i32
    %dma_start3A_54 = tpu.memref_slice %arg7[%dma_start3A_51, %dma_start3A_52, %dma_start3A_53] : memref<2x1024x32xf32, #tpu.memory_space<vmem>> -> memref<1x128x32xf32, #tpu.memory_space<vmem>>
    %dma_start3A_55 = tpu.memref_squeeze %dma_start3A_54 : memref<1x128x32xf32, #tpu.memory_space<vmem>> -> memref<128x32xf32, #tpu.memory_space<vmem>>
    %dma_start3A_56 = arith.constant 0 : i32
    %dma_start3A_57 = tpu.memref_slice %arg6[%dma_start3A_50, %dma_start3A_56] : memref<16x128xi32, #tpu.memory_space<vmem>> -> memref<1x128xi32, #tpu.memory_space<vmem>>
    %dma_start3A_58 = tpu.memref_squeeze %dma_start3A_57 : memref<1x128xi32, #tpu.memory_space<vmem>> -> memref<128xi32, #tpu.memory_space<vmem>>
    %dma_start3A_59 = arith.constant 0 : i32
    %dma_start3A_60 = arith.constant 0 : i32
    %dma_start3A_61 = tpu.memref_slice %arg5[%dma_start3A_59, %dma_start3A_60] : memref<512x32xf32, #tpu.memory_space<vmem_shared>> -> memref<512x32xf32, #tpu.memory_space<vmem_shared>>
    tpu.enqueue_indirect_dma source(%dma_start3A_61 : memref<512x32xf32, #tpu.memory_space<vmem_shared>>) target(%dma_start3A_55 : memref<128x32xf32, #tpu.memory_space<vmem>>) offsets(%dma_start3A_58 : memref<128xi32, #tpu.memory_space<vmem>>) semaphore(%arg8 : memref<!tpu.dma_semaphore, #tpu.memory_space<semaphore_mem>>)
    %dma_start3A_62 = arith.constant 5 : i32
    %dma_start3A_63 = arith.constant 0 : i32
    %dma_start3A_64 = arith.constant 640 : i32
    %dma_start3A_65 = arith.constant 0 : i32
    %dma_start3A_66 = tpu.memref_slice %arg7[%dma_start3A_63, %dma_start3A_64, %dma_start3A_65] : memref<2x1024x32xf32, #tpu.memory_space<vmem>> -> memref<1x128x32xf32, #tpu.memory_space<vmem>>
    %dma_start3A_67 = tpu.memref_squeeze %dma_start3A_66 : memref<1x128x32xf32, #tpu.memory_space<vmem>> -> memref<128x32xf32, #tpu.memory_space<vmem>>
    %dma_start3A_68 = arith.constant 0 : i32
    %dma_start3A_69 = tpu.memref_slice %arg6[%dma_start3A_62, %dma_start3A_68] : memref<16x128xi32, #tpu.memory_space<vmem>> -> memref<1x128xi32, #tpu.memory_space<vmem>>
    %dma_start3A_70 = tpu.memref_squeeze %dma_start3A_69 : memref<1x128xi32, #tpu.memory_space<vmem>> -> memref<128xi32, #tpu.memory_space<vmem>>
    %dma_start3A_71 = arith.constant 0 : i32
    %dma_start3A_72 = arith.constant 0 : i32
    %dma_start3A_73 = tpu.memref_slice %arg5[%dma_start3A_71, %dma_start3A_72] : memref<512x32xf32, #tpu.memory_space<vmem_shared>> -> memref<512x32xf32, #tpu.memory_space<vmem_shared>>
    tpu.enqueue_indirect_dma source(%dma_start3A_73 : memref<512x32xf32, #tpu.memory_space<vmem_shared>>) target(%dma_start3A_67 : memref<128x32xf32, #tpu.memory_space<vmem>>) offsets(%dma_start3A_70 : memref<128xi32, #tpu.memory_space<vmem>>) semaphore(%arg8 : memref<!tpu.dma_semaphore, #tpu.memory_space<semaphore_mem>>)
    %dma_start3A_74 = arith.constant 6 : i32
    %dma_start3A_75 = arith.constant 0 : i32
    %dma_start3A_76 = arith.constant 768 : i32
    %dma_start3A_77 = arith.constant 0 : i32
    %dma_start3A_78 = tpu.memref_slice %arg7[%dma_start3A_75, %dma_start3A_76, %dma_start3A_77] : memref<2x1024x32xf32, #tpu.memory_space<vmem>> -> memref<1x128x32xf32, #tpu.memory_space<vmem>>
    %dma_start3A_79 = tpu.memref_squeeze %dma_start3A_78 : memref<1x128x32xf32, #tpu.memory_space<vmem>> -> memref<128x32xf32, #tpu.memory_space<vmem>>
    %dma_start3A_80 = arith.constant 0 : i32
    %dma_start3A_81 = tpu.memref_slice %arg6[%dma_start3A_74, %dma_start3A_80] : memref<16x128xi32, #tpu.memory_space<vmem>> -> memref<1x128xi32, #tpu.memory_space<vmem>>
    %dma_start3A_82 = tpu.memref_squeeze %dma_start3A_81 : memref<1x128xi32, #tpu.memory_space<vmem>> -> memref<128xi32, #tpu.memory_space<vmem>>
    %dma_start3A_83 = arith.constant 0 : i32
    %dma_start3A_84 = arith.constant 0 : i32
    %dma_start3A_85 = tpu.memref_slice %arg5[%dma_start3A_83, %dma_start3A_84] : memref<512x32xf32, #tpu.memory_space<vmem_shared>> -> memref<512x32xf32, #tpu.memory_space<vmem_shared>>
    tpu.enqueue_indirect_dma source(%dma_start3A_85 : memref<512x32xf32, #tpu.memory_space<vmem_shared>>) target(%dma_start3A_79 : memref<128x32xf32, #tpu.memory_space<vmem>>) offsets(%dma_start3A_82 : memref<128xi32, #tpu.memory_space<vmem>>) semaphore(%arg8 : memref<!tpu.dma_semaphore, #tpu.memory_space<semaphore_mem>>)
    %dma_start3A_86 = arith.constant 7 : i32
    %dma_start3A_87 = arith.constant 0 : i32
    %dma_start3A_88 = arith.constant 896 : i32
    %dma_start3A_89 = arith.constant 0 : i32
    %dma_start3A_90 = tpu.memref_slice %arg7[%dma_start3A_87, %dma_start3A_88, %dma_start3A_89] : memref<2x1024x32xf32, #tpu.memory_space<vmem>> -> memref<1x128x32xf32, #tpu.memory_space<vmem>>
    %dma_start3A_91 = tpu.memref_squeeze %dma_start3A_90 : memref<1x128x32xf32, #tpu.memory_space<vmem>> -> memref<128x32xf32, #tpu.memory_space<vmem>>
    %dma_start3A_92 = arith.constant 0 : i32
    %dma_start3A_93 = tpu.memref_slice %arg6[%dma_start3A_86, %dma_start3A_92] : memref<16x128xi32, #tpu.memory_space<vmem>> -> memref<1x128xi32, #tpu.memory_space<vmem>>
    %dma_start3A_94 = tpu.memref_squeeze %dma_start3A_93 : memref<1x128xi32, #tpu.memory_space<vmem>> -> memref<128xi32, #tpu.memory_space<vmem>>
    %dma_start3A_95 = arith.constant 0 : i32
    %dma_start3A_96 = arith.constant 0 : i32
    %dma_start3A_97 = tpu.memref_slice %arg5[%dma_start3A_95, %dma_start3A_96] : memref<512x32xf32, #tpu.memory_space<vmem_shared>> -> memref<512x32xf32, #tpu.memory_space<vmem_shared>>
    tpu.enqueue_indirect_dma source(%dma_start3A_97 : memref<512x32xf32, #tpu.memory_space<vmem_shared>>) target(%dma_start3A_91 : memref<128x32xf32, #tpu.memory_space<vmem>>) offsets(%dma_start3A_94 : memref<128xi32, #tpu.memory_space<vmem>>) semaphore(%arg8 : memref<!tpu.dma_semaphore, #tpu.memory_space<semaphore_mem>>)
    %dma_start3A_98 = arith.constant 8 : i32
    %dma_start3A_99 = arith.constant 1 : i32
    %dma_start3A_100 = arith.constant 0 : i32
    %dma_start3A_101 = arith.constant 0 : i32
    %dma_start3A_102 = tpu.memref_slice %arg7[%dma_start3A_99, %dma_start3A_100, %dma_start3A_101] : memref<2x1024x32xf32, #tpu.memory_space<vmem>> -> memref<1x128x32xf32, #tpu.memory_space<vmem>>
    %dma_start3A_103 = tpu.memref_squeeze %dma_start3A_102 : memref<1x128x32xf32, #tpu.memory_space<vmem>> -> memref<128x32xf32, #tpu.memory_space<vmem>>
    %dma_start3A_104 = arith.constant 0 : i32
    %dma_start3A_105 = tpu.memref_slice %arg6[%dma_start3A_98, %dma_start3A_104] : memref<16x128xi32, #tpu.memory_space<vmem>> -> memref<1x128xi32, #tpu.memory_space<vmem>>
    %dma_start3A_106 = tpu.memref_squeeze %dma_start3A_105 : memref<1x128xi32, #tpu.memory_space<vmem>> -> memref<128xi32, #tpu.memory_space<vmem>>
    %dma_start3A_107 = arith.constant 0 : i32
    %dma_start3A_108 = arith.constant 0 : i32
    %dma_start3A_109 = tpu.memref_slice %arg5[%dma_start3A_107, %dma_start3A_108] : memref<512x32xf32, #tpu.memory_space<vmem_shared>> -> memref<512x32xf32, #tpu.memory_space<vmem_shared>>
    tpu.enqueue_indirect_dma source(%dma_start3A_109 : memref<512x32xf32, #tpu.memory_space<vmem_shared>>) target(%dma_start3A_103 : memref<128x32xf32, #tpu.memory_space<vmem>>) offsets(%dma_start3A_106 : memref<128xi32, #tpu.memory_space<vmem>>) semaphore(%arg8 : memref<!tpu.dma_semaphore, #tpu.memory_space<semaphore_mem>>)
    %dma_start3A_110 = arith.constant 9 : i32
    %dma_start3A_111 = arith.constant 1 : i32
    %dma_start3A_112 = arith.constant 128 : i32
    %dma_start3A_113 = arith.constant 0 : i32
    %dma_start3A_114 = tpu.memref_slice %arg7[%dma_start3A_111, %dma_start3A_112, %dma_start3A_113] : memref<2x1024x32xf32, #tpu.memory_space<vmem>> -> memref<1x128x32xf32, #tpu.memory_space<vmem>>
    %dma_start3A_115 = tpu.memref_squeeze %dma_start3A_114 : memref<1x128x32xf32, #tpu.memory_space<vmem>> -> memref<128x32xf32, #tpu.memory_space<vmem>>
    %dma_start3A_116 = arith.constant 0 : i32
    %dma_start3A_117 = tpu.memref_slice %arg6[%dma_start3A_110, %dma_start3A_116] : memref<16x128xi32, #tpu.memory_space<vmem>> -> memref<1x128xi32, #tpu.memory_space<vmem>>
    %dma_start3A_118 = tpu.memref_squeeze %dma_start3A_117 : memref<1x128xi32, #tpu.memory_space<vmem>> -> memref<128xi32, #tpu.memory_space<vmem>>
    %dma_start3A_119 = arith.constant 0 : i32
    %dma_start3A_120 = arith.constant 0 : i32
    %dma_start3A_121 = tpu.memref_slice %arg5[%dma_start3A_119, %dma_start3A_120] : memref<512x32xf32, #tpu.memory_space<vmem_shared>> -> memref<512x32xf32, #tpu.memory_space<vmem_shared>>
    tpu.enqueue_indirect_dma source(%dma_start3A_121 : memref<512x32xf32, #tpu.memory_space<vmem_shared>>) target(%dma_start3A_115 : memref<128x32xf32, #tpu.memory_space<vmem>>) offsets(%dma_start3A_118 : memref<128xi32, #tpu.memory_space<vmem>>) semaphore(%arg8 : memref<!tpu.dma_semaphore, #tpu.memory_space<semaphore_mem>>)
    %dma_start3A_122 = arith.constant 10 : i32
    %dma_start3A_123 = arith.constant 1 : i32
    %dma_start3A_124 = arith.constant 256 : i32
    %dma_start3A_125 = arith.constant 0 : i32
    %dma_start3A_126 = tpu.memref_slice %arg7[%dma_start3A_123, %dma_start3A_124, %dma_start3A_125] : memref<2x1024x32xf32, #tpu.memory_space<vmem>> -> memref<1x128x32xf32, #tpu.memory_space<vmem>>
    %dma_start3A_127 = tpu.memref_squeeze %dma_start3A_126 : memref<1x128x32xf32, #tpu.memory_space<vmem>> -> memref<128x32xf32, #tpu.memory_space<vmem>>
    %dma_start3A_128 = arith.constant 0 : i32
    %dma_start3A_129 = tpu.memref_slice %arg6[%dma_start3A_122, %dma_start3A_128] : memref<16x128xi32, #tpu.memory_space<vmem>> -> memref<1x128xi32, #tpu.memory_space<vmem>>
    %dma_start3A_130 = tpu.memref_squeeze %dma_start3A_129 : memref<1x128xi32, #tpu.memory_space<vmem>> -> memref<128xi32, #tpu.memory_space<vmem>>
    %dma_start3A_131 = arith.constant 0 : i32
    %dma_start3A_132 = arith.constant 0 : i32
    %dma_start3A_133 = tpu.memref_slice %arg5[%dma_start3A_131, %dma_start3A_132] : memref<512x32xf32, #tpu.memory_space<vmem_shared>> -> memref<512x32xf32, #tpu.memory_space<vmem_shared>>
    tpu.enqueue_indirect_dma source(%dma_start3A_133 : memref<512x32xf32, #tpu.memory_space<vmem_shared>>) target(%dma_start3A_127 : memref<128x32xf32, #tpu.memory_space<vmem>>) offsets(%dma_start3A_130 : memref<128xi32, #tpu.memory_space<vmem>>) semaphore(%arg8 : memref<!tpu.dma_semaphore, #tpu.memory_space<semaphore_mem>>)
    %dma_start3A_134 = arith.constant 11 : i32
    %dma_start3A_135 = arith.constant 1 : i32
    %dma_start3A_136 = arith.constant 384 : i32
    %dma_start3A_137 = arith.constant 0 : i32
    %dma_start3A_138 = tpu.memref_slice %arg7[%dma_start3A_135, %dma_start3A_136, %dma_start3A_137] : memref<2x1024x32xf32, #tpu.memory_space<vmem>> -> memref<1x128x32xf32, #tpu.memory_space<vmem>>
    %dma_start3A_139 = tpu.memref_squeeze %dma_start3A_138 : memref<1x128x32xf32, #tpu.memory_space<vmem>> -> memref<128x32xf32, #tpu.memory_space<vmem>>
    %dma_start3A_140 = arith.constant 0 : i32
    %dma_start3A_141 = tpu.memref_slice %arg6[%dma_start3A_134, %dma_start3A_140] : memref<16x128xi32, #tpu.memory_space<vmem>> -> memref<1x128xi32, #tpu.memory_space<vmem>>
    %dma_start3A_142 = tpu.memref_squeeze %dma_start3A_141 : memref<1x128xi32, #tpu.memory_space<vmem>> -> memref<128xi32, #tpu.memory_space<vmem>>
    %dma_start3A_143 = arith.constant 0 : i32
    %dma_start3A_144 = arith.constant 0 : i32
    %dma_start3A_145 = tpu.memref_slice %arg5[%dma_start3A_143, %dma_start3A_144] : memref<512x32xf32, #tpu.memory_space<vmem_shared>> -> memref<512x32xf32, #tpu.memory_space<vmem_shared>>
    tpu.enqueue_indirect_dma source(%dma_start3A_145 : memref<512x32xf32, #tpu.memory_space<vmem_shared>>) target(%dma_start3A_139 : memref<128x32xf32, #tpu.memory_space<vmem>>) offsets(%dma_start3A_142 : memref<128xi32, #tpu.memory_space<vmem>>) semaphore(%arg8 : memref<!tpu.dma_semaphore, #tpu.memory_space<semaphore_mem>>)
    %dma_start3A_146 = arith.constant 12 : i32
    %dma_start3A_147 = arith.constant 1 : i32
    %dma_start3A_148 = arith.constant 512 : i32
    %dma_start3A_149 = arith.constant 0 : i32
    %dma_start3A_150 = tpu.memref_slice %arg7[%dma_start3A_147, %dma_start3A_148, %dma_start3A_149] : memref<2x1024x32xf32, #tpu.memory_space<vmem>> -> memref<1x128x32xf32, #tpu.memory_space<vmem>>
    %dma_start3A_151 = tpu.memref_squeeze %dma_start3A_150 : memref<1x128x32xf32, #tpu.memory_space<vmem>> -> memref<128x32xf32, #tpu.memory_space<vmem>>
    %dma_start3A_152 = arith.constant 0 : i32
    %dma_start3A_153 = tpu.memref_slice %arg6[%dma_start3A_146, %dma_start3A_152] : memref<16x128xi32, #tpu.memory_space<vmem>> -> memref<1x128xi32, #tpu.memory_space<vmem>>
    %dma_start3A_154 = tpu.memref_squeeze %dma_start3A_153 : memref<1x128xi32, #tpu.memory_space<vmem>> -> memref<128xi32, #tpu.memory_space<vmem>>
    %dma_start3A_155 = arith.constant 0 : i32
    %dma_start3A_156 = arith.constant 0 : i32
    %dma_start3A_157 = tpu.memref_slice %arg5[%dma_start3A_155, %dma_start3A_156] : memref<512x32xf32, #tpu.memory_space<vmem_shared>> -> memref<512x32xf32, #tpu.memory_space<vmem_shared>>
    tpu.enqueue_indirect_dma source(%dma_start3A_157 : memref<512x32xf32, #tpu.memory_space<vmem_shared>>) target(%dma_start3A_151 : memref<128x32xf32, #tpu.memory_space<vmem>>) offsets(%dma_start3A_154 : memref<128xi32, #tpu.memory_space<vmem>>) semaphore(%arg8 : memref<!tpu.dma_semaphore, #tpu.memory_space<semaphore_mem>>)
    %dma_start3A_158 = arith.constant 13 : i32
    %dma_start3A_159 = arith.constant 1 : i32
    %dma_start3A_160 = arith.constant 640 : i32
    %dma_start3A_161 = arith.constant 0 : i32
    %dma_start3A_162 = tpu.memref_slice %arg7[%dma_start3A_159, %dma_start3A_160, %dma_start3A_161] : memref<2x1024x32xf32, #tpu.memory_space<vmem>> -> memref<1x128x32xf32, #tpu.memory_space<vmem>>
    %dma_start3A_163 = tpu.memref_squeeze %dma_start3A_162 : memref<1x128x32xf32, #tpu.memory_space<vmem>> -> memref<128x32xf32, #tpu.memory_space<vmem>>
    %dma_start3A_164 = arith.constant 0 : i32
    %dma_start3A_165 = tpu.memref_slice %arg6[%dma_start3A_158, %dma_start3A_164] : memref<16x128xi32, #tpu.memory_space<vmem>> -> memref<1x128xi32, #tpu.memory_space<vmem>>
    %dma_start3A_166 = tpu.memref_squeeze %dma_start3A_165 : memref<1x128xi32, #tpu.memory_space<vmem>> -> memref<128xi32, #tpu.memory_space<vmem>>
    %dma_start3A_167 = arith.constant 0 : i32
    %dma_start3A_168 = arith.constant 0 : i32
    %dma_start3A_169 = tpu.memref_slice %arg5[%dma_start3A_167, %dma_start3A_168] : memref<512x32xf32, #tpu.memory_space<vmem_shared>> -> memref<512x32xf32, #tpu.memory_space<vmem_shared>>
    tpu.enqueue_indirect_dma source(%dma_start3A_169 : memref<512x32xf32, #tpu.memory_space<vmem_shared>>) target(%dma_start3A_163 : memref<128x32xf32, #tpu.memory_space<vmem>>) offsets(%dma_start3A_166 : memref<128xi32, #tpu.memory_space<vmem>>) semaphore(%arg8 : memref<!tpu.dma_semaphore, #tpu.memory_space<semaphore_mem>>)
    %dma_start3A_170 = arith.constant 14 : i32
    %dma_start3A_171 = arith.constant 1 : i32
    %dma_start3A_172 = arith.constant 768 : i32
    %dma_start3A_173 = arith.constant 0 : i32
    %dma_start3A_174 = tpu.memref_slice %arg7[%dma_start3A_171, %dma_start3A_172, %dma_start3A_173] : memref<2x1024x32xf32, #tpu.memory_space<vmem>> -> memref<1x128x32xf32, #tpu.memory_space<vmem>>
    %dma_start3A_175 = tpu.memref_squeeze %dma_start3A_174 : memref<1x128x32xf32, #tpu.memory_space<vmem>> -> memref<128x32xf32, #tpu.memory_space<vmem>>
    %dma_start3A_176 = arith.constant 0 : i32
    %dma_start3A_177 = tpu.memref_slice %arg6[%dma_start3A_170, %dma_start3A_176] : memref<16x128xi32, #tpu.memory_space<vmem>> -> memref<1x128xi32, #tpu.memory_space<vmem>>
    %dma_start3A_178 = tpu.memref_squeeze %dma_start3A_177 : memref<1x128xi32, #tpu.memory_space<vmem>> -> memref<128xi32, #tpu.memory_space<vmem>>
    %dma_start3A_179 = arith.constant 0 : i32
    %dma_start3A_180 = arith.constant 0 : i32
    %dma_start3A_181 = tpu.memref_slice %arg5[%dma_start3A_179, %dma_start3A_180] : memref<512x32xf32, #tpu.memory_space<vmem_shared>> -> memref<512x32xf32, #tpu.memory_space<vmem_shared>>
    tpu.enqueue_indirect_dma source(%dma_start3A_181 : memref<512x32xf32, #tpu.memory_space<vmem_shared>>) target(%dma_start3A_175 : memref<128x32xf32, #tpu.memory_space<vmem>>) offsets(%dma_start3A_178 : memref<128xi32, #tpu.memory_space<vmem>>) semaphore(%arg8 : memref<!tpu.dma_semaphore, #tpu.memory_space<semaphore_mem>>)
    %dma_start3A_182 = arith.constant 15 : i32
    %dma_start3A_183 = arith.constant 1 : i32
    %dma_start3A_184 = arith.constant 896 : i32
    %dma_start3A_185 = arith.constant 0 : i32
    %dma_start3A_186 = tpu.memref_slice %arg7[%dma_start3A_183, %dma_start3A_184, %dma_start3A_185] : memref<2x1024x32xf32, #tpu.memory_space<vmem>> -> memref<1x128x32xf32, #tpu.memory_space<vmem>>
    %dma_start3A_187 = tpu.memref_squeeze %dma_start3A_186 : memref<1x128x32xf32, #tpu.memory_space<vmem>> -> memref<128x32xf32, #tpu.memory_space<vmem>>
    %dma_start3A_188 = arith.constant 0 : i32
    %dma_start3A_189 = tpu.memref_slice %arg6[%dma_start3A_182, %dma_start3A_188] : memref<16x128xi32, #tpu.memory_space<vmem>> -> memref<1x128xi32, #tpu.memory_space<vmem>>
    %dma_start3A_190 = tpu.memref_squeeze %dma_start3A_189 : memref<1x128xi32, #tpu.memory_space<vmem>> -> memref<128xi32, #tpu.memory_space<vmem>>
    %dma_start3A_191 = arith.constant 0 : i32
    %dma_start3A_192 = arith.constant 0 : i32
    %dma_start3A_193 = tpu.memref_slice %arg5[%dma_start3A_191, %dma_start3A_192] : memref<512x32xf32, #tpu.memory_space<vmem_shared>> -> memref<512x32xf32, #tpu.memory_space<vmem_shared>>
    tpu.enqueue_indirect_dma source(%dma_start3A_193 : memref<512x32xf32, #tpu.memory_space<vmem_shared>>) target(%dma_start3A_187 : memref<128x32xf32, #tpu.memory_space<vmem>>) offsets(%dma_start3A_190 : memref<128xi32, #tpu.memory_space<vmem>>) semaphore(%arg8 : memref<!tpu.dma_semaphore, #tpu.memory_space<semaphore_mem>>)
    %dma_wait3A = arith.constant 0 : i32
    %dma_wait3A_194 = arith.constant 0 : i32
    %dma_wait3A_195 = arith.constant 0 : i32
    %dma_wait3A_196 = arith.constant 0 : i32
    %dma_wait3A_197 = tpu.memref_slice %arg7[%dma_wait3A_194, %dma_wait3A_195, %dma_wait3A_196] : memref<2x1024x32xf32, #tpu.memory_space<vmem>> -> memref<1x128x32xf32, #tpu.memory_space<vmem>>
    %dma_wait3A_198 = tpu.memref_squeeze %dma_wait3A_197 : memref<1x128x32xf32, #tpu.memory_space<vmem>> -> memref<128x32xf32, #tpu.memory_space<vmem>>
    %dma_wait3A_199 = arith.constant 0 : i32
    %dma_wait3A_200 = tpu.memref_slice %arg6[%dma_wait3A, %dma_wait3A_199] : memref<16x128xi32, #tpu.memory_space<vmem>> -> memref<1x128xi32, #tpu.memory_space<vmem>>
    %dma_wait3A_201 = tpu.memref_squeeze %dma_wait3A_200 : memref<1x128xi32, #tpu.memory_space<vmem>> -> memref<128xi32, #tpu.memory_space<vmem>>
    %dma_wait3A_202 = arith.constant 0 : i32
    %dma_wait3A_203 = arith.constant 0 : i32
    %dma_wait3A_204 = tpu.memref_slice %arg5[%dma_wait3A_202, %dma_wait3A_203] : memref<512x32xf32, #tpu.memory_space<vmem_shared>> -> memref<512x32xf32, #tpu.memory_space<vmem_shared>>
    tpu.wait_indirect_dma semaphore(%arg8 : memref<!tpu.dma_semaphore, #tpu.memory_space<semaphore_mem>>) src(%dma_wait3A_204 : memref<512x32xf32, #tpu.memory_space<vmem_shared>>) dst(%dma_wait3A_198 : memref<128x32xf32, #tpu.memory_space<vmem>>)
    %dma_wait3A_205 = arith.constant 1 : i32
    %dma_wait3A_206 = arith.constant 0 : i32
    %dma_wait3A_207 = arith.constant 128 : i32
    %dma_wait3A_208 = arith.constant 0 : i32
    %dma_wait3A_209 = tpu.memref_slice %arg7[%dma_wait3A_206, %dma_wait3A_207, %dma_wait3A_208] : memref<2x1024x32xf32, #tpu.memory_space<vmem>> -> memref<1x128x32xf32, #tpu.memory_space<vmem>>
    %dma_wait3A_210 = tpu.memref_squeeze %dma_wait3A_209 : memref<1x128x32xf32, #tpu.memory_space<vmem>> -> memref<128x32xf32, #tpu.memory_space<vmem>>
    %dma_wait3A_211 = arith.constant 0 : i32
    %dma_wait3A_212 = tpu.memref_slice %arg6[%dma_wait3A_205, %dma_wait3A_211] : memref<16x128xi32, #tpu.memory_space<vmem>> -> memref<1x128xi32, #tpu.memory_space<vmem>>
    %dma_wait3A_213 = tpu.memref_squeeze %dma_wait3A_212 : memref<1x128xi32, #tpu.memory_space<vmem>> -> memref<128xi32, #tpu.memory_space<vmem>>
    %dma_wait3A_214 = arith.constant 0 : i32
    %dma_wait3A_215 = arith.constant 0 : i32
    %dma_wait3A_216 = tpu.memref_slice %arg5[%dma_wait3A_214, %dma_wait3A_215] : memref<512x32xf32, #tpu.memory_space<vmem_shared>> -> memref<512x32xf32, #tpu.memory_space<vmem_shared>>
    tpu.wait_indirect_dma semaphore(%arg8 : memref<!tpu.dma_semaphore, #tpu.memory_space<semaphore_mem>>) src(%dma_wait3A_216 : memref<512x32xf32, #tpu.memory_space<vmem_shared>>) dst(%dma_wait3A_210 : memref<128x32xf32, #tpu.memory_space<vmem>>)
    %dma_wait3A_217 = arith.constant 2 : i32
    %dma_wait3A_218 = arith.constant 0 : i32
    %dma_wait3A_219 = arith.constant 256 : i32
    %dma_wait3A_220 = arith.constant 0 : i32
    %dma_wait3A_221 = tpu.memref_slice %arg7[%dma_wait3A_218, %dma_wait3A_219, %dma_wait3A_220] : memref<2x1024x32xf32, #tpu.memory_space<vmem>> -> memref<1x128x32xf32, #tpu.memory_space<vmem>>
    %dma_wait3A_222 = tpu.memref_squeeze %dma_wait3A_221 : memref<1x128x32xf32, #tpu.memory_space<vmem>> -> memref<128x32xf32, #tpu.memory_space<vmem>>
    %dma_wait3A_223 = arith.constant 0 : i32
    %dma_wait3A_224 = tpu.memref_slice %arg6[%dma_wait3A_217, %dma_wait3A_223] : memref<16x128xi32, #tpu.memory_space<vmem>> -> memref<1x128xi32, #tpu.memory_space<vmem>>
    %dma_wait3A_225 = tpu.memref_squeeze %dma_wait3A_224 : memref<1x128xi32, #tpu.memory_space<vmem>> -> memref<128xi32, #tpu.memory_space<vmem>>
    %dma_wait3A_226 = arith.constant 0 : i32
    %dma_wait3A_227 = arith.constant 0 : i32
    %dma_wait3A_228 = tpu.memref_slice %arg5[%dma_wait3A_226, %dma_wait3A_227] : memref<512x32xf32, #tpu.memory_space<vmem_shared>> -> memref<512x32xf32, #tpu.memory_space<vmem_shared>>
    tpu.wait_indirect_dma semaphore(%arg8 : memref<!tpu.dma_semaphore, #tpu.memory_space<semaphore_mem>>) src(%dma_wait3A_228 : memref<512x32xf32, #tpu.memory_space<vmem_shared>>) dst(%dma_wait3A_222 : memref<128x32xf32, #tpu.memory_space<vmem>>)
    %dma_wait3A_229 = arith.constant 3 : i32
    %dma_wait3A_230 = arith.constant 0 : i32
    %dma_wait3A_231 = arith.constant 384 : i32
    %dma_wait3A_232 = arith.constant 0 : i32
    %dma_wait3A_233 = tpu.memref_slice %arg7[%dma_wait3A_230, %dma_wait3A_231, %dma_wait3A_232] : memref<2x1024x32xf32, #tpu.memory_space<vmem>> -> memref<1x128x32xf32, #tpu.memory_space<vmem>>
    %dma_wait3A_234 = tpu.memref_squeeze %dma_wait3A_233 : memref<1x128x32xf32, #tpu.memory_space<vmem>> -> memref<128x32xf32, #tpu.memory_space<vmem>>
    %dma_wait3A_235 = arith.constant 0 : i32
    %dma_wait3A_236 = tpu.memref_slice %arg6[%dma_wait3A_229, %dma_wait3A_235] : memref<16x128xi32, #tpu.memory_space<vmem>> -> memref<1x128xi32, #tpu.memory_space<vmem>>
    %dma_wait3A_237 = tpu.memref_squeeze %dma_wait3A_236 : memref<1x128xi32, #tpu.memory_space<vmem>> -> memref<128xi32, #tpu.memory_space<vmem>>
    %dma_wait3A_238 = arith.constant 0 : i32
    %dma_wait3A_239 = arith.constant 0 : i32
    %dma_wait3A_240 = tpu.memref_slice %arg5[%dma_wait3A_238, %dma_wait3A_239] : memref<512x32xf32, #tpu.memory_space<vmem_shared>> -> memref<512x32xf32, #tpu.memory_space<vmem_shared>>
    tpu.wait_indirect_dma semaphore(%arg8 : memref<!tpu.dma_semaphore, #tpu.memory_space<semaphore_mem>>) src(%dma_wait3A_240 : memref<512x32xf32, #tpu.memory_space<vmem_shared>>) dst(%dma_wait3A_234 : memref<128x32xf32, #tpu.memory_space<vmem>>)
    %dma_wait3A_241 = arith.constant 4 : i32
    %dma_wait3A_242 = arith.constant 0 : i32
    %dma_wait3A_243 = arith.constant 512 : i32
    %dma_wait3A_244 = arith.constant 0 : i32
    %dma_wait3A_245 = tpu.memref_slice %arg7[%dma_wait3A_242, %dma_wait3A_243, %dma_wait3A_244] : memref<2x1024x32xf32, #tpu.memory_space<vmem>> -> memref<1x128x32xf32, #tpu.memory_space<vmem>>
    %dma_wait3A_246 = tpu.memref_squeeze %dma_wait3A_245 : memref<1x128x32xf32, #tpu.memory_space<vmem>> -> memref<128x32xf32, #tpu.memory_space<vmem>>
    %dma_wait3A_247 = arith.constant 0 : i32
    %dma_wait3A_248 = tpu.memref_slice %arg6[%dma_wait3A_241, %dma_wait3A_247] : memref<16x128xi32, #tpu.memory_space<vmem>> -> memref<1x128xi32, #tpu.memory_space<vmem>>
    %dma_wait3A_249 = tpu.memref_squeeze %dma_wait3A_248 : memref<1x128xi32, #tpu.memory_space<vmem>> -> memref<128xi32, #tpu.memory_space<vmem>>
    %dma_wait3A_250 = arith.constant 0 : i32
    %dma_wait3A_251 = arith.constant 0 : i32
    %dma_wait3A_252 = tpu.memref_slice %arg5[%dma_wait3A_250, %dma_wait3A_251] : memref<512x32xf32, #tpu.memory_space<vmem_shared>> -> memref<512x32xf32, #tpu.memory_space<vmem_shared>>
    tpu.wait_indirect_dma semaphore(%arg8 : memref<!tpu.dma_semaphore, #tpu.memory_space<semaphore_mem>>) src(%dma_wait3A_252 : memref<512x32xf32, #tpu.memory_space<vmem_shared>>) dst(%dma_wait3A_246 : memref<128x32xf32, #tpu.memory_space<vmem>>)
    %dma_wait3A_253 = arith.constant 5 : i32
    %dma_wait3A_254 = arith.constant 0 : i32
    %dma_wait3A_255 = arith.constant 640 : i32
    %dma_wait3A_256 = arith.constant 0 : i32
    %dma_wait3A_257 = tpu.memref_slice %arg7[%dma_wait3A_254, %dma_wait3A_255, %dma_wait3A_256] : memref<2x1024x32xf32, #tpu.memory_space<vmem>> -> memref<1x128x32xf32, #tpu.memory_space<vmem>>
    %dma_wait3A_258 = tpu.memref_squeeze %dma_wait3A_257 : memref<1x128x32xf32, #tpu.memory_space<vmem>> -> memref<128x32xf32, #tpu.memory_space<vmem>>
    %dma_wait3A_259 = arith.constant 0 : i32
    %dma_wait3A_260 = tpu.memref_slice %arg6[%dma_wait3A_253, %dma_wait3A_259] : memref<16x128xi32, #tpu.memory_space<vmem>> -> memref<1x128xi32, #tpu.memory_space<vmem>>
    %dma_wait3A_261 = tpu.memref_squeeze %dma_wait3A_260 : memref<1x128xi32, #tpu.memory_space<vmem>> -> memref<128xi32, #tpu.memory_space<vmem>>
    %dma_wait3A_262 = arith.constant 0 : i32
    %dma_wait3A_263 = arith.constant 0 : i32
    %dma_wait3A_264 = tpu.memref_slice %arg5[%dma_wait3A_262, %dma_wait3A_263] : memref<512x32xf32, #tpu.memory_space<vmem_shared>> -> memref<512x32xf32, #tpu.memory_space<vmem_shared>>
    tpu.wait_indirect_dma semaphore(%arg8 : memref<!tpu.dma_semaphore, #tpu.memory_space<semaphore_mem>>) src(%dma_wait3A_264 : memref<512x32xf32, #tpu.memory_space<vmem_shared>>) dst(%dma_wait3A_258 : memref<128x32xf32, #tpu.memory_space<vmem>>)
    %dma_wait3A_265 = arith.constant 6 : i32
    %dma_wait3A_266 = arith.constant 0 : i32
    %dma_wait3A_267 = arith.constant 768 : i32
    %dma_wait3A_268 = arith.constant 0 : i32
    %dma_wait3A_269 = tpu.memref_slice %arg7[%dma_wait3A_266, %dma_wait3A_267, %dma_wait3A_268] : memref<2x1024x32xf32, #tpu.memory_space<vmem>> -> memref<1x128x32xf32, #tpu.memory_space<vmem>>
    %dma_wait3A_270 = tpu.memref_squeeze %dma_wait3A_269 : memref<1x128x32xf32, #tpu.memory_space<vmem>> -> memref<128x32xf32, #tpu.memory_space<vmem>>
    %dma_wait3A_271 = arith.constant 0 : i32
    %dma_wait3A_272 = tpu.memref_slice %arg6[%dma_wait3A_265, %dma_wait3A_271] : memref<16x128xi32, #tpu.memory_space<vmem>> -> memref<1x128xi32, #tpu.memory_space<vmem>>
    %dma_wait3A_273 = tpu.memref_squeeze %dma_wait3A_272 : memref<1x128xi32, #tpu.memory_space<vmem>> -> memref<128xi32, #tpu.memory_space<vmem>>
    %dma_wait3A_274 = arith.constant 0 : i32
    %dma_wait3A_275 = arith.constant 0 : i32
    %dma_wait3A_276 = tpu.memref_slice %arg5[%dma_wait3A_274, %dma_wait3A_275] : memref<512x32xf32, #tpu.memory_space<vmem_shared>> -> memref<512x32xf32, #tpu.memory_space<vmem_shared>>
    tpu.wait_indirect_dma semaphore(%arg8 : memref<!tpu.dma_semaphore, #tpu.memory_space<semaphore_mem>>) src(%dma_wait3A_276 : memref<512x32xf32, #tpu.memory_space<vmem_shared>>) dst(%dma_wait3A_270 : memref<128x32xf32, #tpu.memory_space<vmem>>)
    %dma_wait3A_277 = arith.constant 7 : i32
    %dma_wait3A_278 = arith.constant 0 : i32
    %dma_wait3A_279 = arith.constant 896 : i32
    %dma_wait3A_280 = arith.constant 0 : i32
    %dma_wait3A_281 = tpu.memref_slice %arg7[%dma_wait3A_278, %dma_wait3A_279, %dma_wait3A_280] : memref<2x1024x32xf32, #tpu.memory_space<vmem>> -> memref<1x128x32xf32, #tpu.memory_space<vmem>>
    %dma_wait3A_282 = tpu.memref_squeeze %dma_wait3A_281 : memref<1x128x32xf32, #tpu.memory_space<vmem>> -> memref<128x32xf32, #tpu.memory_space<vmem>>
    %dma_wait3A_283 = arith.constant 0 : i32
    %dma_wait3A_284 = tpu.memref_slice %arg6[%dma_wait3A_277, %dma_wait3A_283] : memref<16x128xi32, #tpu.memory_space<vmem>> -> memref<1x128xi32, #tpu.memory_space<vmem>>
    %dma_wait3A_285 = tpu.memref_squeeze %dma_wait3A_284 : memref<1x128xi32, #tpu.memory_space<vmem>> -> memref<128xi32, #tpu.memory_space<vmem>>
    %dma_wait3A_286 = arith.constant 0 : i32
    %dma_wait3A_287 = arith.constant 0 : i32
    %dma_wait3A_288 = tpu.memref_slice %arg5[%dma_wait3A_286, %dma_wait3A_287] : memref<512x32xf32, #tpu.memory_space<vmem_shared>> -> memref<512x32xf32, #tpu.memory_space<vmem_shared>>
    tpu.wait_indirect_dma semaphore(%arg8 : memref<!tpu.dma_semaphore, #tpu.memory_space<semaphore_mem>>) src(%dma_wait3A_288 : memref<512x32xf32, #tpu.memory_space<vmem_shared>>) dst(%dma_wait3A_282 : memref<128x32xf32, #tpu.memory_space<vmem>>)
    %dma_wait3A_289 = arith.constant 8 : i32
    %dma_wait3A_290 = arith.constant 1 : i32
    %dma_wait3A_291 = arith.constant 0 : i32
    %dma_wait3A_292 = arith.constant 0 : i32
    %dma_wait3A_293 = tpu.memref_slice %arg7[%dma_wait3A_290, %dma_wait3A_291, %dma_wait3A_292] : memref<2x1024x32xf32, #tpu.memory_space<vmem>> -> memref<1x128x32xf32, #tpu.memory_space<vmem>>
    %dma_wait3A_294 = tpu.memref_squeeze %dma_wait3A_293 : memref<1x128x32xf32, #tpu.memory_space<vmem>> -> memref<128x32xf32, #tpu.memory_space<vmem>>
    %dma_wait3A_295 = arith.constant 0 : i32
    %dma_wait3A_296 = tpu.memref_slice %arg6[%dma_wait3A_289, %dma_wait3A_295] : memref<16x128xi32, #tpu.memory_space<vmem>> -> memref<1x128xi32, #tpu.memory_space<vmem>>
    %dma_wait3A_297 = tpu.memref_squeeze %dma_wait3A_296 : memref<1x128xi32, #tpu.memory_space<vmem>> -> memref<128xi32, #tpu.memory_space<vmem>>
    %dma_wait3A_298 = arith.constant 0 : i32
    %dma_wait3A_299 = arith.constant 0 : i32
    %dma_wait3A_300 = tpu.memref_slice %arg5[%dma_wait3A_298, %dma_wait3A_299] : memref<512x32xf32, #tpu.memory_space<vmem_shared>> -> memref<512x32xf32, #tpu.memory_space<vmem_shared>>
    tpu.wait_indirect_dma semaphore(%arg8 : memref<!tpu.dma_semaphore, #tpu.memory_space<semaphore_mem>>) src(%dma_wait3A_300 : memref<512x32xf32, #tpu.memory_space<vmem_shared>>) dst(%dma_wait3A_294 : memref<128x32xf32, #tpu.memory_space<vmem>>)
    %dma_wait3A_301 = arith.constant 9 : i32
    %dma_wait3A_302 = arith.constant 1 : i32
    %dma_wait3A_303 = arith.constant 128 : i32
    %dma_wait3A_304 = arith.constant 0 : i32
    %dma_wait3A_305 = tpu.memref_slice %arg7[%dma_wait3A_302, %dma_wait3A_303, %dma_wait3A_304] : memref<2x1024x32xf32, #tpu.memory_space<vmem>> -> memref<1x128x32xf32, #tpu.memory_space<vmem>>
    %dma_wait3A_306 = tpu.memref_squeeze %dma_wait3A_305 : memref<1x128x32xf32, #tpu.memory_space<vmem>> -> memref<128x32xf32, #tpu.memory_space<vmem>>
    %dma_wait3A_307 = arith.constant 0 : i32
    %dma_wait3A_308 = tpu.memref_slice %arg6[%dma_wait3A_301, %dma_wait3A_307] : memref<16x128xi32, #tpu.memory_space<vmem>> -> memref<1x128xi32, #tpu.memory_space<vmem>>
    %dma_wait3A_309 = tpu.memref_squeeze %dma_wait3A_308 : memref<1x128xi32, #tpu.memory_space<vmem>> -> memref<128xi32, #tpu.memory_space<vmem>>
    %dma_wait3A_310 = arith.constant 0 : i32
    %dma_wait3A_311 = arith.constant 0 : i32
    %dma_wait3A_312 = tpu.memref_slice %arg5[%dma_wait3A_310, %dma_wait3A_311] : memref<512x32xf32, #tpu.memory_space<vmem_shared>> -> memref<512x32xf32, #tpu.memory_space<vmem_shared>>
    tpu.wait_indirect_dma semaphore(%arg8 : memref<!tpu.dma_semaphore, #tpu.memory_space<semaphore_mem>>) src(%dma_wait3A_312 : memref<512x32xf32, #tpu.memory_space<vmem_shared>>) dst(%dma_wait3A_306 : memref<128x32xf32, #tpu.memory_space<vmem>>)
    %dma_wait3A_313 = arith.constant 10 : i32
    %dma_wait3A_314 = arith.constant 1 : i32
    %dma_wait3A_315 = arith.constant 256 : i32
    %dma_wait3A_316 = arith.constant 0 : i32
    %dma_wait3A_317 = tpu.memref_slice %arg7[%dma_wait3A_314, %dma_wait3A_315, %dma_wait3A_316] : memref<2x1024x32xf32, #tpu.memory_space<vmem>> -> memref<1x128x32xf32, #tpu.memory_space<vmem>>
    %dma_wait3A_318 = tpu.memref_squeeze %dma_wait3A_317 : memref<1x128x32xf32, #tpu.memory_space<vmem>> -> memref<128x32xf32, #tpu.memory_space<vmem>>
    %dma_wait3A_319 = arith.constant 0 : i32
    %dma_wait3A_320 = tpu.memref_slice %arg6[%dma_wait3A_313, %dma_wait3A_319] : memref<16x128xi32, #tpu.memory_space<vmem>> -> memref<1x128xi32, #tpu.memory_space<vmem>>
    %dma_wait3A_321 = tpu.memref_squeeze %dma_wait3A_320 : memref<1x128xi32, #tpu.memory_space<vmem>> -> memref<128xi32, #tpu.memory_space<vmem>>
    %dma_wait3A_322 = arith.constant 0 : i32
    %dma_wait3A_323 = arith.constant 0 : i32
    %dma_wait3A_324 = tpu.memref_slice %arg5[%dma_wait3A_322, %dma_wait3A_323] : memref<512x32xf32, #tpu.memory_space<vmem_shared>> -> memref<512x32xf32, #tpu.memory_space<vmem_shared>>
    tpu.wait_indirect_dma semaphore(%arg8 : memref<!tpu.dma_semaphore, #tpu.memory_space<semaphore_mem>>) src(%dma_wait3A_324 : memref<512x32xf32, #tpu.memory_space<vmem_shared>>) dst(%dma_wait3A_318 : memref<128x32xf32, #tpu.memory_space<vmem>>)
    %dma_wait3A_325 = arith.constant 11 : i32
    %dma_wait3A_326 = arith.constant 1 : i32
    %dma_wait3A_327 = arith.constant 384 : i32
    %dma_wait3A_328 = arith.constant 0 : i32
    %dma_wait3A_329 = tpu.memref_slice %arg7[%dma_wait3A_326, %dma_wait3A_327, %dma_wait3A_328] : memref<2x1024x32xf32, #tpu.memory_space<vmem>> -> memref<1x128x32xf32, #tpu.memory_space<vmem>>
    %dma_wait3A_330 = tpu.memref_squeeze %dma_wait3A_329 : memref<1x128x32xf32, #tpu.memory_space<vmem>> -> memref<128x32xf32, #tpu.memory_space<vmem>>
    %dma_wait3A_331 = arith.constant 0 : i32
    %dma_wait3A_332 = tpu.memref_slice %arg6[%dma_wait3A_325, %dma_wait3A_331] : memref<16x128xi32, #tpu.memory_space<vmem>> -> memref<1x128xi32, #tpu.memory_space<vmem>>
    %dma_wait3A_333 = tpu.memref_squeeze %dma_wait3A_332 : memref<1x128xi32, #tpu.memory_space<vmem>> -> memref<128xi32, #tpu.memory_space<vmem>>
    %dma_wait3A_334 = arith.constant 0 : i32
    %dma_wait3A_335 = arith.constant 0 : i32
    %dma_wait3A_336 = tpu.memref_slice %arg5[%dma_wait3A_334, %dma_wait3A_335] : memref<512x32xf32, #tpu.memory_space<vmem_shared>> -> memref<512x32xf32, #tpu.memory_space<vmem_shared>>
    tpu.wait_indirect_dma semaphore(%arg8 : memref<!tpu.dma_semaphore, #tpu.memory_space<semaphore_mem>>) src(%dma_wait3A_336 : memref<512x32xf32, #tpu.memory_space<vmem_shared>>) dst(%dma_wait3A_330 : memref<128x32xf32, #tpu.memory_space<vmem>>)
    %dma_wait3A_337 = arith.constant 12 : i32
    %dma_wait3A_338 = arith.constant 1 : i32
    %dma_wait3A_339 = arith.constant 512 : i32
    %dma_wait3A_340 = arith.constant 0 : i32
    %dma_wait3A_341 = tpu.memref_slice %arg7[%dma_wait3A_338, %dma_wait3A_339, %dma_wait3A_340] : memref<2x1024x32xf32, #tpu.memory_space<vmem>> -> memref<1x128x32xf32, #tpu.memory_space<vmem>>
    %dma_wait3A_342 = tpu.memref_squeeze %dma_wait3A_341 : memref<1x128x32xf32, #tpu.memory_space<vmem>> -> memref<128x32xf32, #tpu.memory_space<vmem>>
    %dma_wait3A_343 = arith.constant 0 : i32
    %dma_wait3A_344 = tpu.memref_slice %arg6[%dma_wait3A_337, %dma_wait3A_343] : memref<16x128xi32, #tpu.memory_space<vmem>> -> memref<1x128xi32, #tpu.memory_space<vmem>>
    %dma_wait3A_345 = tpu.memref_squeeze %dma_wait3A_344 : memref<1x128xi32, #tpu.memory_space<vmem>> -> memref<128xi32, #tpu.memory_space<vmem>>
    %dma_wait3A_346 = arith.constant 0 : i32
    %dma_wait3A_347 = arith.constant 0 : i32
    %dma_wait3A_348 = tpu.memref_slice %arg5[%dma_wait3A_346, %dma_wait3A_347] : memref<512x32xf32, #tpu.memory_space<vmem_shared>> -> memref<512x32xf32, #tpu.memory_space<vmem_shared>>
    tpu.wait_indirect_dma semaphore(%arg8 : memref<!tpu.dma_semaphore, #tpu.memory_space<semaphore_mem>>) src(%dma_wait3A_348 : memref<512x32xf32, #tpu.memory_space<vmem_shared>>) dst(%dma_wait3A_342 : memref<128x32xf32, #tpu.memory_space<vmem>>)
    %dma_wait3A_349 = arith.constant 13 : i32
    %dma_wait3A_350 = arith.constant 1 : i32
    %dma_wait3A_351 = arith.constant 640 : i32
    %dma_wait3A_352 = arith.constant 0 : i32
    %dma_wait3A_353 = tpu.memref_slice %arg7[%dma_wait3A_350, %dma_wait3A_351, %dma_wait3A_352] : memref<2x1024x32xf32, #tpu.memory_space<vmem>> -> memref<1x128x32xf32, #tpu.memory_space<vmem>>
    %dma_wait3A_354 = tpu.memref_squeeze %dma_wait3A_353 : memref<1x128x32xf32, #tpu.memory_space<vmem>> -> memref<128x32xf32, #tpu.memory_space<vmem>>
    %dma_wait3A_355 = arith.constant 0 : i32
    %dma_wait3A_356 = tpu.memref_slice %arg6[%dma_wait3A_349, %dma_wait3A_355] : memref<16x128xi32, #tpu.memory_space<vmem>> -> memref<1x128xi32, #tpu.memory_space<vmem>>
    %dma_wait3A_357 = tpu.memref_squeeze %dma_wait3A_356 : memref<1x128xi32, #tpu.memory_space<vmem>> -> memref<128xi32, #tpu.memory_space<vmem>>
    %dma_wait3A_358 = arith.constant 0 : i32
    %dma_wait3A_359 = arith.constant 0 : i32
    %dma_wait3A_360 = tpu.memref_slice %arg5[%dma_wait3A_358, %dma_wait3A_359] : memref<512x32xf32, #tpu.memory_space<vmem_shared>> -> memref<512x32xf32, #tpu.memory_space<vmem_shared>>
    tpu.wait_indirect_dma semaphore(%arg8 : memref<!tpu.dma_semaphore, #tpu.memory_space<semaphore_mem>>) src(%dma_wait3A_360 : memref<512x32xf32, #tpu.memory_space<vmem_shared>>) dst(%dma_wait3A_354 : memref<128x32xf32, #tpu.memory_space<vmem>>)
    %dma_wait3A_361 = arith.constant 14 : i32
    %dma_wait3A_362 = arith.constant 1 : i32
    %dma_wait3A_363 = arith.constant 768 : i32
    %dma_wait3A_364 = arith.constant 0 : i32
    %dma_wait3A_365 = tpu.memref_slice %arg7[%dma_wait3A_362, %dma_wait3A_363, %dma_wait3A_364] : memref<2x1024x32xf32, #tpu.memory_space<vmem>> -> memref<1x128x32xf32, #tpu.memory_space<vmem>>
    %dma_wait3A_366 = tpu.memref_squeeze %dma_wait3A_365 : memref<1x128x32xf32, #tpu.memory_space<vmem>> -> memref<128x32xf32, #tpu.memory_space<vmem>>
    %dma_wait3A_367 = arith.constant 0 : i32
    %dma_wait3A_368 = tpu.memref_slice %arg6[%dma_wait3A_361, %dma_wait3A_367] : memref<16x128xi32, #tpu.memory_space<vmem>> -> memref<1x128xi32, #tpu.memory_space<vmem>>
    %dma_wait3A_369 = tpu.memref_squeeze %dma_wait3A_368 : memref<1x128xi32, #tpu.memory_space<vmem>> -> memref<128xi32, #tpu.memory_space<vmem>>
    %dma_wait3A_370 = arith.constant 0 : i32
    %dma_wait3A_371 = arith.constant 0 : i32
    %dma_wait3A_372 = tpu.memref_slice %arg5[%dma_wait3A_370, %dma_wait3A_371] : memref<512x32xf32, #tpu.memory_space<vmem_shared>> -> memref<512x32xf32, #tpu.memory_space<vmem_shared>>
    tpu.wait_indirect_dma semaphore(%arg8 : memref<!tpu.dma_semaphore, #tpu.memory_space<semaphore_mem>>) src(%dma_wait3A_372 : memref<512x32xf32, #tpu.memory_space<vmem_shared>>) dst(%dma_wait3A_366 : memref<128x32xf32, #tpu.memory_space<vmem>>)
    %dma_wait3A_373 = arith.constant 15 : i32
    %dma_wait3A_374 = arith.constant 1 : i32
    %dma_wait3A_375 = arith.constant 896 : i32
    %dma_wait3A_376 = arith.constant 0 : i32
    %dma_wait3A_377 = tpu.memref_slice %arg7[%dma_wait3A_374, %dma_wait3A_375, %dma_wait3A_376] : memref<2x1024x32xf32, #tpu.memory_space<vmem>> -> memref<1x128x32xf32, #tpu.memory_space<vmem>>
    %dma_wait3A_378 = tpu.memref_squeeze %dma_wait3A_377 : memref<1x128x32xf32, #tpu.memory_space<vmem>> -> memref<128x32xf32, #tpu.memory_space<vmem>>
    %dma_wait3A_379 = arith.constant 0 : i32
    %dma_wait3A_380 = tpu.memref_slice %arg6[%dma_wait3A_373, %dma_wait3A_379] : memref<16x128xi32, #tpu.memory_space<vmem>> -> memref<1x128xi32, #tpu.memory_space<vmem>>
    %dma_wait3A_381 = tpu.memref_squeeze %dma_wait3A_380 : memref<1x128xi32, #tpu.memory_space<vmem>> -> memref<128xi32, #tpu.memory_space<vmem>>
    %dma_wait3A_382 = arith.constant 0 : i32
    %dma_wait3A_383 = arith.constant 0 : i32
    %dma_wait3A_384 = tpu.memref_slice %arg5[%dma_wait3A_382, %dma_wait3A_383] : memref<512x32xf32, #tpu.memory_space<vmem_shared>> -> memref<512x32xf32, #tpu.memory_space<vmem_shared>>
    tpu.wait_indirect_dma semaphore(%arg8 : memref<!tpu.dma_semaphore, #tpu.memory_space<semaphore_mem>>) src(%dma_wait3A_384 : memref<512x32xf32, #tpu.memory_space<vmem_shared>>) dst(%dma_wait3A_378 : memref<128x32xf32, #tpu.memory_space<vmem>>)
    %mul3A_385 = arith.constant 2 : i32
    %mul3A_386 = arith.muli %add3A, %mul3A_385 : i32
    "tpu.region"() ({
      %run_scoped3A = tpu.sem_alloc : memref<!tpu.dma_semaphore, #tpu.memory_space<semaphore_mem>>
      %dma_start3A_387 = arith.constant 0 : i32
      %dma_start3A_388 = arith.constant 0 : i32
      %dma_start3A_389 = tpu.memref_slice %arg4[%mul3A_386, %dma_start3A_387, %dma_start3A_388] : memref<64x1024x32xf32, #tpu.memory_space<hbm>> -> memref<2x1024x32xf32, #tpu.memory_space<hbm>>
      %dma_start3A_390 = arith.constant 0 : i32
      %dma_start3A_391 = arith.constant 0 : i32
      %dma_start3A_392 = tpu.memref_slice %arg4[%mul3A_386, %dma_start3A_390, %dma_start3A_391] : memref<64x1024x32xf32, #tpu.memory_space<hbm>> -> memref<2x1024x32xf32, #tpu.memory_space<hbm>>
      tpu.enqueue_dma source(%arg7 : memref<2x1024x32xf32, #tpu.memory_space<vmem>>) target(%dma_start3A_392 : memref<2x1024x32xf32, #tpu.memory_space<hbm>>) target_semaphore(%run_scoped3A : memref<!tpu.dma_semaphore, #tpu.memory_space<semaphore_mem>>)
      %dma_wait3A_393 = arith.constant 0 : i32
      %dma_wait3A_394 = arith.constant 0 : i32
      %dma_wait3A_395 = tpu.memref_slice %arg4[%mul3A_386, %dma_wait3A_393, %dma_wait3A_394] : memref<64x1024x32xf32, #tpu.memory_space<hbm>> -> memref<2x1024x32xf32, #tpu.memory_space<hbm>>
      %dma_wait3A_396 = arith.constant 0 : i32
      %dma_wait3A_397 = arith.constant 0 : i32
      %dma_wait3A_398 = tpu.memref_slice %arg4[%mul3A_386, %dma_wait3A_396, %dma_wait3A_397] : memref<64x1024x32xf32, #tpu.memory_space<hbm>> -> memref<2x1024x32xf32, #tpu.memory_space<hbm>>
      tpu.wait_dma2 semaphore(%run_scoped3A : memref<!tpu.dma_semaphore, #tpu.memory_space<semaphore_mem>>) src(%arg7 : memref<2x1024x32xf32, #tpu.memory_space<vmem>>) dst(%dma_wait3A_398 : memref<2x1024x32xf32, #tpu.memory_space<hbm>>)
      tpu.yield
    }) : () -> ()
    return
  }
}

module attributes {stable_mosaic.version = 14 : i64} {
  func.func @_vq_tc_body(%arg0: i32, %arg1: memref<4096x32xf32, #tpu.memory_space<vmem>>, %arg2: memref<32x512xf32, #tpu.memory_space<vmem>>, %arg3: memref<4096x1xi32, #tpu.memory_space<vmem>>, %arg4: memref<1x1xf32, #tpu.memory_space<smem>>) attributes {dimension_semantics = [#tpu.dimension_semantics<arbitrary>], iteration_bounds = array<i64: 16>, scalar_prefetch = 0 : i64, scratch_operands = 0 : i64, tpu.core_type = #tpu.core_type<tc>, window_params = [{transform_indices = @transform_0, window_bounds = array<i64: 4096, 32>}, {pipeline_mode = #tpu.pipeline_mode<synchronous>, transform_indices = @transform_1, window_bounds = array<i64: 32, 512>}, {transform_indices = @transform_2, window_bounds = array<i64: 4096, 1>}, {transform_indices = @transform_3, window_bounds = array<i64: 1, 1>}]} {
    %get3A = arith.constant 0 : index
    %get3A_0 = arith.constant 0 : index
    %get3A_1 = vector.load %arg1[%get3A, %get3A_0] : memref<4096x32xf32, #tpu.memory_space<vmem>>, vector<4096x32xf32>
    %get3A_2 = arith.constant 0 : index
    %get3A_3 = arith.constant 0 : index
    %get3A_4 = vector.load %arg2[%get3A_2, %get3A_3] : memref<32x512xf32, #tpu.memory_space<vmem>>, vector<32x512xf32>
    %add3A = arith.addf %get3A_4, %get3A_4 : vector<32x512xf32>
    %dot_general3A = arith.constant dense<0.000000e+00> : vector<4096x512xf32>
    %dot_general3A_5 = tpu.matmul %get3A_1, %add3A, %dot_general3A {dimension_numbers = #tpu.dot_dimension_numbers<[1], [0], [0], [1], [0, 0, 1, 1], [], []>, transpose_lhs_hint = false} : vector<4096x32xf32>, vector<32x512xf32>, vector<4096x512xf32> -> vector<4096x512xf32>
    %mul3A = arith.mulf %get3A_1, %get3A_1 : vector<4096x32xf32>
    %reduce_sum3A = arith.constant dense<0.000000e+00> : vector<4096xf32>
    %reduce_sum3A_6 = vector.multi_reduction <add>, %mul3A, %reduce_sum3A [1] : vector<4096x32xf32> to vector<4096xf32>
    %broadcast_in_dim3A = vector.shape_cast %reduce_sum3A_6 : vector<4096xf32> to vector<4096x1xf32>
    %mul3A_7 = arith.mulf %get3A_4, %get3A_4 : vector<32x512xf32>
    %reduce_sum3A_8 = arith.constant dense<0.000000e+00> : vector<512xf32>
    %reduce_sum3A_9 = vector.multi_reduction <add>, %mul3A_7, %reduce_sum3A_8 [0] : vector<32x512xf32> to vector<512xf32>
    %broadcast_in_dim3A_10 = vector.shape_cast %reduce_sum3A_9 : vector<512xf32> to vector<1x512xf32>
    %add3A_11 = vector.broadcast %broadcast_in_dim3A : vector<4096x1xf32> to vector<4096x512xf32>
    %add3A_12 = vector.broadcast %broadcast_in_dim3A_10 : vector<1x512xf32> to vector<4096x512xf32>
    %add3A_13 = arith.addf %add3A_11, %add3A_12 : vector<4096x512xf32>
    %sub3A = arith.subf %add3A_13, %dot_general3A_5 : vector<4096x512xf32>
    %reduce_min3A = arith.constant dense<0x7F800000> : vector<4096xf32>
    %reduce_min3A_14 = vector.multi_reduction <minimumf>, %sub3A, %reduce_min3A [1] : vector<4096x512xf32> to vector<4096xf32>
    %broadcast_in_dim3A_15 = vector.shape_cast %reduce_min3A_14 : vector<4096xf32> to vector<4096x1xf32>
    %iota3A = tpu.iota {dimensions = array<i32: 1>} : vector<4096x512xi32>
    %convert_element_type3A = arith.sitofp %iota3A : vector<4096x512xi32> to vector<4096x512xf32>
    %eq3A = vector.broadcast %broadcast_in_dim3A_15 : vector<4096x1xf32> to vector<4096x512xf32>
    %eq3A_16 = arith.cmpf oeq, %sub3A, %eq3A : vector<4096x512xf32>
    %jit3A = arith.constant 5.120000e+02 : f32
    %broadcast_in_dim3A_17 = vector.broadcast %jit3A : f32 to vector<4096x512xf32>
    %select_n3A = arith.select %eq3A_16, %convert_element_type3A, %broadcast_in_dim3A_17 : vector<4096x512xi1>, vector<4096x512xf32>
    %reduce_min3A_18 = arith.constant dense<0x7F800000> : vector<4096xf32>
    %reduce_min3A_19 = vector.multi_reduction <minimumf>, %select_n3A, %reduce_min3A_18 [1] : vector<4096x512xf32> to vector<4096xf32>
    %broadcast_in_dim3A_20 = vector.shape_cast %reduce_min3A_19 : vector<4096xf32> to vector<4096x1xf32>
    %convert_element_type3A_21 = arith.fptosi %broadcast_in_dim3A_20 : vector<4096x1xf32> to vector<4096x1xi32>
    %swap3A = arith.constant 0 : index
    %swap3A_22 = arith.constant 0 : index
    %swap3A_23 = vector.load %arg3[%swap3A, %swap3A_22] : memref<4096x1xi32, #tpu.memory_space<vmem>>, vector<4096x1xi32>
    tpu.vector_store %arg3[%swap3A, %swap3A_22], %convert_element_type3A_21 {strides = array<i32>} : memref<4096x1xi32, #tpu.memory_space<vmem>>, vector<4096x1xi32>,
    %eq3A_24 = arith.constant 0 : i32
    %eq3A_25 = arith.cmpi eq, %arg0, %eq3A_24 : i32
    %convert_element_type3A_26 = arith.extui %eq3A_25 : i1 to i32
    %cond3A = arith.constant 0 : i32
    %cond3A_27 = arith.cmpi ne, %convert_element_type3A_26, %cond3A : i32
    scf.if %cond3A_27 {
      %swap3A_40 = arith.constant 0.000000e+00 : f32
      %swap3A_41 = arith.constant 0 : index
      %swap3A_42 = arith.constant 0 : index
      %swap3A_43 = memref.load %arg4[%swap3A_41, %swap3A_42] : memref<1x1xf32, #tpu.memory_space<smem>>
      memref.store %swap3A_40, %arg4[%swap3A_41, %swap3A_42] : memref<1x1xf32, #tpu.memory_space<smem>>
    } else {
    }
    %get3A_28 = arith.constant 0 : index
    %get3A_29 = arith.constant 0 : index
    %get3A_30 = memref.load %arg4[%get3A_28, %get3A_29] : memref<1x1xf32, #tpu.memory_space<smem>>
    %reduce_sum3A_31 = vector.shape_cast %broadcast_in_dim3A_15 : vector<4096x1xf32> to vector<1x4096x1xf32>
    %reduce_sum3A_32 = arith.constant dense<0.000000e+00> : vector<1xf32>
    %reduce_sum3A_33 = vector.multi_reduction <add>, %reduce_sum3A_31, %reduce_sum3A_32 [1, 2] : vector<1x4096x1xf32> to vector<1xf32>
    %reduce_sum3A_34 = vector.shape_cast %reduce_sum3A_33 : vector<1xf32> to vector<1x1x1xf32>
    %reduce_sum3A_35 = vector.extract %reduce_sum3A_34[0, 0, 0] : f32 from vector<1x1x1xf32>
    %add3A_36 = arith.addf %get3A_30, %reduce_sum3A_35 : f32
    %swap3A_37 = arith.constant 0 : index
    %swap3A_38 = arith.constant 0 : index
    %swap3A_39 = memref.load %arg4[%swap3A_37, %swap3A_38] : memref<1x1xf32, #tpu.memory_space<smem>>
    memref.store %add3A_36, %arg4[%swap3A_37, %swap3A_38] : memref<1x1xf32, #tpu.memory_space<smem>>
    return
  }
  func.func @transform_0(%arg0: i32) -> (i32, i32) {
    %c0_i32 = arith.constant 0 : i32
    %c0_i32_0 = arith.constant 0 : i32
    return %arg0, %c0_i32 : i32, i32
  }
  func.func @transform_1(%arg0: i32) -> (i32, i32) {
    %c0_i32 = arith.constant 0 : i32
    %c0_i32_0 = arith.constant 0 : i32
    %c0_i32_1 = arith.constant 0 : i32
    return %c0_i32, %c0_i32_0 : i32, i32
  }
  func.func @transform_2(%arg0: i32) -> (i32, i32) {
    %c0_i32 = arith.constant 0 : i32
    %c0_i32_0 = arith.constant 0 : i32
    return %arg0, %c0_i32 : i32, i32
  }
  func.func @transform_3(%arg0: i32) -> (i32, i32) {
    %c0_i32 = arith.constant 0 : i32
    %c0_i32_0 = arith.constant 0 : i32
    %c0_i32_1 = arith.constant 0 : i32
    return %c0_i32, %c0_i32_0 : i32, i32
  }
}

</mosaic_0001>

<sc_bundles>
// kernel: kernel.4.cloned.1.call-start
scs
__scs_entry_jumppad:
0x0: {  	(pc) =	sbr.rel $0x88, $3  }
0x1: {  	(tag) =	ssettag $0x0;
	lr =	simm.s32 $0x1  }
0x2: {  	[smem:$0x3F9F] =	sst lr;
	_ =	strace $0xD0000000  }
0x3: {  	_ = 	snop  }
0x4: {  	_ = 	snop  }
0x5: {  	_ = 	snop  }
0x6: {  	_ = 	snop  }
0x7: {  	_ = 	snop  }
__scs_overlays_trampoline_lowered:
0x8: {  	[smem:$0x3FAE] =	sst s0  }
0x9: {  	[smem:$0x3FAF] =	sst s1  }
0xa: {  	[smem:$0x3FB0] =	sst s2  }
0xb: {  	[smem:$0x3FB1] =	sst s3  }
0xc: {  	[smem:$0x3FB2] =	sst s4  }
0xd: {  	[smem:$0x3FB3] =	sst s5  }
0xe: {  	[smem:$0x3FB4] =	sst s6  }
0xf: {  	[smem:$0x3FB5] =	sst s7  }
0x10: {  	[smem:$0x3FB6] =	sst s8  }
0x11: {  	[smem:$0x3FB7] =	sst s9;
	s0 =	simm.s32 @!p0 $0x0  }
0x12: {  	s1 =	sld [smem:$0x3F9D];
	s0 =	simm.s32 @p0 $0x1  }
0x13: {  	[smem:$0x3FB8] =	sst s0;
	s0 =	simm.s32 @!p1 $0x0  }
0x14: {  	s2 =	sld [smem:$0x3F9C];
	s0 =	simm.s32 @p1 $0x1  }
0x15: {  	[smem:$0x3FB9] =	sst s0;
	s0 =	simm.s32 @!p2 $0x0  }
0x16: {  	s3 =	sld [smem:$0x3FDB];
	s0 =	simm.s32 @p2 $0x1  }
0x17: {  	s4 =	simm.s32 $0x1BF5;
	[smem:$0x3FBB] =	sst s0  }
0x18: {  	s0 =	sld [smem:$0x3F9E];
	_ =	swait.ge [sflag:s4], $0x0  }
0x19: {  	s7 =	sld [smem:$0x3F9F]  }
0x1a: {  	s8 =	sadd.s32 $0xFFFFE003, lr  }
0x1b: {  	s9 =	sadd.s32 $0xFFFFFEF7, lr;
	s5 =	simm.s32 $0xFFFFFFFF;
	p2 =	slt.u32 s8, $0xFFFFF086  }
0x1c: {  	p1 =	slt.u32 s9, $0xF7A;
	s5 =	simm.s32 @!p2 $0x0  }
0x1d: {  	s5 =	simm.s32 @p1 $0x1;
	p0 =	seq.s32 s7, s2  }
0x1e: {  	s7 =	smul.u32 @!p0 $0xF7A, s2;
	p2 =	seq.s32 @!p0 s5, $0x0  }
0x1f: {  	s9 =	smul.u32 $0xF7A, s1;
	s8 =	simm.s32 @!p0 $0x1BF5;
	p2 =	por !p2, p0  }
0x20: {  	[sflag:s8] =	ssyncset.s32 @!p0 $0xFFFFF086;
	s6 =	sadd.s32 @!p0 s3, s7;
	s7 =	simm.s32 @!p0 $0x108  }
0x21: {  	s3 =	sadd.s32 s3, s9;
	s6 =	sadd.s32 @!p0 $0x88, s6;
	s7 =	simm.s32 @p2 $0x1082  }
0x22: {  	[simem:s7], [sflag:s8] =	dma.local @!p0 [hbm:s6], $0xF7A  }
0x23: {  	s9 =	sor.u32 $0xD0000000, s2;
	s6 =	simm.s32 $0x108;
	_ =	swait.ge @!p0 [sflag:s8], $0x0  }
0x24: {  	s3 =	sadd.s32 $0x88, s3;
	s6 =	simm.s32 @!p1 $0x1082;
	[sflag:s4] =	ssyncset.s32 $0xFFFFF086  }
0x25: {  	[simem:s6], [sflag:s4] =	dma.local [hbm:s3], $0xF7A  }
0x26: {  	[smem:$0x3F9F] =	sst s1;
	(tag) =	ssettag s2;
	_ =	strace s9  }
0x27: {  	s1 =	sld [smem:$0x3FAF]  }
0x28: {  	s2 =	sld [smem:$0x3FB0]  }
0x29: {  	s4 =	sld [smem:$0x3FB2]  }
0x2a: {  	p0 =	seq.s32 s5, $0x0;
	s5 =	sld [smem:$0x3FB3]  }
0x2b: {  	s6 =	sld [smem:$0x3FB4]  }
0x2c: {  	s7 =	sld [smem:$0x3FB5]  }
0x2d: {  	s3 =	simm.s32 $0x108;
	s8 =	sld [smem:$0x3FB6]  }
0x2e: {  	s3 =	simm.s32 @!p0 $0x1082;
	s9 =	sld [smem:$0x3FB7]  }
0x2f: {  	lr =	sadd.s32 s0, s3;
	s0 =	sld [smem:$0x3FAE]  }
0x30: {  	s3 =	sld [smem:$0x3FB1]  }
0x31: {  	[smem:$0x3FBA] =	sst s10  }
0x32: {  	s10 =	sld [smem:$0x3FB8];
	_ =	sdelay $0x3  }
0x33: {  	p0 =	seq.s32 s10, $0x1;
	s10 =	sld [smem:$0x3FBA];
	_ =	sdelay $0x3  }
0x34: {  	[smem:$0x3FBA] =	sst s10  }
0x35: {  	s10 =	sld [smem:$0x3FB9];
	_ =	sdelay $0x3  }
0x36: {  	p1 =	seq.s32 s10, $0x1;
	s10 =	sld [smem:$0x3FBA];
	_ =	sdelay $0x3  }
0x37: {  	[smem:$0x3FBA] =	sst s10  }
0x38: {  	s10 =	sld [smem:$0x3FBB]  }
0x39: {  	_ = 	snop;
	(pc) =	sbr.ind lr, $3  }
0x3a: {  	_ = 	snop  }
0x3b: {  	_ = 	snop  }
0x3c: {  	p2 =	seq.s32 s10, $0x1;
	s10 =	sld [smem:$0x3FBA]  }
0x3d: {  	_ =	shalt  }
0x3e: {  	_ =	shalt  }
0x3f: {  	_ =	shalt  }
0x40: {  	_ =	shalt  }
0x41: {  	_ =	shalt  }
0x42: {  	_ =	shalt  }
0x43: {  	_ =	shalt  }
0x44: {  	_ =	shalt  }
0x45: {  	_ =	shalt  }
0x46: {  	_ =	shalt  }
0x47: {  	_ =	shalt  }
0x48: {  	_ =	shalt  }
0x49: {  	_ =	shalt  }
0x4a: {  	_ =	shalt  }
0x4b: {  	_ =	shalt  }
0x4c: {  	_ =	shalt  }
0x4d: {  	_ =	shalt  }
0x4e: {  	_ =	shalt  }
0x4f: {  	_ =	shalt  }
0x50: {  	_ =	shalt  }
0x51: {  	_ =	shalt  }
0x52: {  	_ =	shalt  }
0x53: {  	_ =	shalt  }
0x54: {  	_ =	shalt  }
0x55: {  	_ =	shalt  }
0x56: {  	_ =	shalt  }
0x57: {  	_ =	shalt  }
0x58: {  	_ =	shalt  }
0x59: {  	_ =	shalt  }
0x5a: {  	_ =	shalt  }
0x5b: {  	_ =	shalt  }
0x5c: {  	_ =	shalt  }
0x5d: {  	_ =	shalt  }
0x5e: {  	_ =	shalt  }
0x5f: {  	_ =	shalt  }
0x60: {  	_ =	shalt  }
0x61: {  	_ =	shalt  }
0x62: {  	_ =	shalt  }
0x63: {  	_ =	shalt  }
0x64: {  	_ =	shalt  }
0x65: {  	_ =	shalt  }
0x66: {  	_ =	shalt  }
0x67: {  	_ =	shalt  }
0x68: {  	_ =	shalt  }
0x69: {  	_ =	shalt  }
0x6a: {  	_ =	shalt  }
0x6b: {  	_ =	shalt  }
0x6c: {  	_ =	shalt  }
0x6d: {  	_ =	shalt  }
0x6e: {  	_ =	shalt  }
0x6f: {  	_ =	shalt  }
0x70: {  	_ =	shalt  }
0x71: {  	_ =	shalt  }
0x72: {  	_ =	shalt  }
0x73: {  	_ =	shalt  }
0x74: {  	_ =	shalt  }
0x75: {  	_ =	shalt  }
0x76: {  	_ =	shalt  }
0x77: {  	_ =	shalt  }
0x78: {  	_ =	shalt  }
0x79: {  	_ =	shalt  }
0x7a: {  	_ =	shalt  }
0x7b: {  	_ =	shalt  }
0x7c: {  	_ =	shalt  }
0x7d: {  	_ =	shalt  }
0x7e: {  	_ =	shalt  }
0x7f: {  	_ =	shalt  }
0x80: {  	_ =	shalt  }
0x81: {  	_ =	shalt  }
0x82: {  	_ =	shalt  }
0x83: {  	_ =	shalt  }
0x84: {  	_ =	shalt  }
0x85: {  	_ =	shalt  }
0x86: {  	_ =	shalt  }
0x87: {  	_ =	shalt  }
.Lfunc_end0:
.L_simem_size_0:
called_computation_lowered:
.L_overlay_start_0:
0x88: {  	s2 =	sld [smem:$0x3FD9]  }
0x89: {  	s3 =	sld [smem:$0x3FFE];
	_ =	sdelay $0x1  }
0x8a: {  	s1 =	srdreg.scid  }
0x8b: {  	s0 =	sand.u32 $0x1, s1  }
0x8c: {  	s14 =	sshll.u32 s0, $0xA;
	s2 =	sadd.s32 s3, s2  }
0x8d: {  	s2 =	sadd.s32 s2, s14  }
0x8e: {  	[smem:$0x3FC6] =	sst s2  }
0x8f: {  	_ = 	snop  }
0x90: {  	s2 =	sld [smem:$0x3FD0];
	_ =	sdelay $0x2  }
0x91: {  	s15 =	simm.s32 $0xA;
	s4 =	simm.s32 $0x10  }
0x92: {  	[smem:s4], [sflag:s15] =	dma.local [hbm:s2], $0x1  }
0x93: {  	_ =	swait.eq [sflag:s15], $0x1  }
0x94: {  	[sflag:s15] =	ssyncset.done $0x0  }
0x95: {  	[sflag:s15] =	ssyncadd.s32 $0xFFFFFFFF  }
0x96: {  	s16 =	sld [smem:$0x10];
	(tm) =	ssettm $0x1  }
0x97: {  	s17 =	sld [smem:$0x3FFB];
	_ =	sdelay $0x3  }
0x98: {  	_ =	strace s17  }
0x99: {  	s3 =	sld [smem:$0x3FFC];
	_ =	sdelay $0x3  }
0x9a: {  	_ =	strace s3  }
0x9b: {  	s3 =	sld [smem:$0x3FFD];
	_ =	sdelay $0x3  }
0x9c: {  	_ =	strace s3  }
0x9d: {  	_ =	strace $0x8FFFFFFF  }
0x9e: {  	s18 =	sld [smem:$0x3FDB];
	_ =	sdelay $0x1  }
0x9f: {  	s19 =	simm.s32 $_scs_section_size  }
0xa0: {  	s5 =	simm.s32 $_size__tile_overlayer_lowered;
	s6 =	simm.s32 $_tile_overlayer_lowered  }
0xa1: {  	s22 =	simm.s32 $0x1BFF;
	s21 =	sshll.u32 s6, $0x1;
	s3 =	sadd.s32 s19, s18  }
0xa2: {  	s7 =	simm.s32 $0x0;
	s20 =	sshll.u32 s5, $0x1;
	s5 =	sadd.s32 s21, s3  }
0xa3: {  	[timem:s7], [sflag:s22] =	dma.local [hbm:s5], s20  }
0xa4: {  	_ =	swait.ge [sflag:s22], s20  }
0xa5: {  	s4 =	ssub.s32 $0x0, s20;
	[sflag:s22] =	ssyncset.done $0x0  }
0xa6: {  	[sflag:s22] =	ssyncadd.s32 s4;
	_ =	sdelay $0x1  }
0xa7: {  	s23 =	simm.s32 $0x1B8B  }
0xa8: {  	_ =	swait.ge [sflag:s23], $0x1  }
0xa9: {  	[sflag:s23] =	ssyncset.done $0x0  }
0xaa: {  	s25 =	simm.s32 $0x1B8E;
	s24 =	sld [smem:$0x3FFE];
	[sflag:s23] =	ssyncadd.s32 $0xFFFFFFFF  }
0xab: {  	s26 =	simm.s32 $execute0_lowered;
	[smem:$0x3FD2] =	sst s25  }
0xac: {  	s5 =	sshll.u32 s26, $0x1;
	_ =	strace $0x80000046;
	[dreg:$0x1] =	wrdreg $0xFFFFFFFF  }
0xad: {  	s28 =	simm.s32 $_size_execute0_lowered;
	s3 =	sadd.s32 s3, s5;
	[dreg:$0x0] =	wrdreg $0x0  }
0xae: {  	s5 =	sshll.u32 s28, $0x1;
	[dreg:$0x2] =	wrdreg s3  }
0xaf: {  	[dreg:$0x3] =	wrdreg s5  }
0xb0: {  	[dreg:$0x4] =	wrdreg $0xC0  }
0xb1: {  	_ =	task [dreg:s7], $0x5FFFF  }
0xb2: {  	[dreg:$0x1] =	wrdreg $0xFFFFFFFF  }
0xb3: {  	[dreg:$0x0] =	wrdreg $0x60  }
0xb4: {  	[dreg:$0x2] =	wrdreg s24  }
0xb5: {  	[dreg:$0x3] =	wrdreg s16  }
0xb6: {  	[dreg:$0x4] =	wrdreg $0x0  }
0xb7: {  	[dreg:$0x5] =	wrdreg $0x9  }
0xb8: {  	_ =	task.clear_ibuf [dreg:s7], $0x6FFFF;
	_ =	strace $0x90000046  }
0xb9: {  	s29 =	simm.s32 $0x9;
	_ =	strace $0x80000048  }
0xba: {  	_ =	swait.ge [sflag:s29], $0x1  }
0xbb: {  	[sflag:s29] =	ssyncadd.s32 $0xFFFFFFFF  }
0xbc: {  	_ =	strace $0x90000048  }
0xbd: {  	_ =	sfence  }
0xbe: {  	s30 =	sld [smem:$0x0];
	_ =	sdelay $0x2  }
0xbf: {  	s31 =	sshll.u32 s1, $0xD;
	s1 =	sshrl.u32 s1, $0x2  }
0xc0: {  	s3 =	sand.u32 $0x4000, s31;
	s1 =	sadd.s32 s1, s30  }
0xc1: {  	s0 =	sor.u32 s3, s0;
	s1 =	sshll.u32 s1, $0x11  }
0xc2: {  	s0 =	sor.u32 s1, s0  }
0xc3: {  	s0 =	sadd.s32 $0x8F2B, s0  }
0xc4: {  	[sflag:s0] =	ssyncadd.remote.s32 $0x1  }
0xc5: {  	_ =	sfence.sel $0xFFFF  }
0xc6: {  	[dreg:$0x0] =	wrdreg $0xFFFFFFFF;
	(pc) =	sbr.abs _section_cstart, $3  }
0xc7: {  	[dreg:$0x1] =	wrdreg $0xFFFFFFFF  }
0xc8: {  	_ =	task.clear_ibuf [dreg:s7], $0x2FFFF;
	_ =	strace $0x9FFFFFFF  }
0xc9: {  	(tm) =	ssettm $0x7FFFFFFF  }
tec
execute0_lowered:
.L_overlay_start_1:
0x0: {  	(tag) =	ssettag $0x1  }
0x1: {  	s0 =	rddreg [dreg:$0x0]  }
0x2: {  	s2 =	rddreg [dreg:$0x1];
	s1 =	srdreg.scid  }
0x3: {  	s3 =	rddreg [dreg:$0x2];
	s5 =	sand.u32 $0x1, s1;
	s1 =	simm.s32 $0x0  }
0x4: {  	s8 =	sadd.s32 $0x400, s0;
	[smem:$0x7FF] =	sst s1  }
0x5: {  	s11 =	simm.s32 $0x480;
	_ =	strace $0x80000047;
	[dreg:$0x4] =	wrdreg s8  }
0x6: {  	s12 =	simm.s32 $0x1C00;
	[dreg:$0x8] =	wrdreg s11  }
0x7: {  	s13 =	simm.s32 $0x500;
	[dreg:$0x9] =	wrdreg s12  }
0x8: {  	s14 =	simm.s32 $0x2C00;
	[dreg:$0xa] =	wrdreg s13  }
0x9: {  	s15 =	simm.s32 $0x580;
	[dreg:$0xb] =	wrdreg s14  }
0xa: {  	s4 =	stileid.u32;
	s16 =	simm.s32 $0x3C00;
	[dreg:$0xc] =	wrdreg s15  }
0xb: {  	s17 =	simm.s32 $0x600;
	s18 =	simm.s32 $0x4C00;
	[dreg:$0xd] =	wrdreg s16  }
0xc: {  	s19 =	simm.s32 $0x680;
	s6 =	sshll.u32 s4, $0x1;
	[dreg:$0xe] =	wrdreg s17  }
0xd: {  	s20 =	simm.s32 $0x5C00;
	s6 =	sor.u32 s5, s6;
	[dreg:$0xf] =	wrdreg s18  }
0xe: {  	s7 =	sshll.u32 s6, $0x8;
	s6 =	sshll.u32 s6, $0xD;
	[dreg:$0x10] =	wrdreg s19  }
0xf: {  	[dreg:$0x11] =	wrdreg s20;
	s0 =	sadd.s32 s7, s0;
	s10 =	sadd.s32 s2, s6  }
0x10: {  	p0 =	sne.s32 s4, $0x0;
	s0 =	sadd.s32 $0xC00, s0;
	[dreg:$0x6] =	wrdreg s10  }
0x11: {  	[dreg:$0x5] =	wrdreg s0;
	s0 =	sshrl.u32 @!p0 s3, $0x3  }
0x12: {  	[dreg:$0x7] =	wrdreg s0  }
0x13: {  	s0 =	rddreg [dreg:$0x4]  }
0x14: {  	s2 =	simm.s32 @!p0 $0x1C02;
	s7 =	simm.s32 @!p0 $0x2;
	s4 =	rddreg [dreg:$0x7]  }
0x15: {  	[spmem:s4], [sflag:s2] =	dma.local @!p0 [hbm:s0], $0x800  }
0x16: {  	_ =	swait.ge @!p0 [sflag:s7], $0x800  }
0x17: {  	s9 =	simm.s32 $0x400;
	[sflag:s7] =	ssyncset.done @!p0 $0x0  }
0x18: {  	s2 =	simm.s32 $0x2;
	s21 =	rddreg [dreg:$0x5];
	[sflag:s7] =	ssyncadd.s32 @!p0 $0xFFFFF800  }
0x19: {  	[tilespmem:s9], [sflag:$0x2] =	stream.linear.gather [hbm4b:s21+s1], $0x800, $0x38;
	[tilespmem:$0x10C00] =	vst v63  }
0x1a: {  	_ =	swait.ge [sflag:s2], $0x800  }
0x1b: {  	s28 =	simm.s32 $0xEC00;
	[sflag:s2] =	ssyncset.done $0x0  }
0x1c: {  	s29 =	simm.s32 $0xB80;
	s30 =	simm.s32 $0xFC00;
	[sflag:s2] =	ssyncadd.s32 $0xFFFFF800  }
0x1d: {  	s22 =	ssub.s32 $0x2, s5;
	s5 =	simm.s32 $0x1;
	[bflag:$0x0] =	sbarrier.arrive $0xFFFF  }
0x1e: {  	s23 =	sshrl.u32 s22, $0x1;
	s8 =	simm.s32 $0x80;
	s24 =	rddreg [dreg:$0x8]  }
0x1f: {  	s13 =	simm.s32 $0x7C00;
	s14 =	simm.s32 $0x800;
	s25 =	rddreg [dreg:$0x9]  }
0x20: {  	s15 =	simm.s32 $0x8C00;
	s16 =	simm.s32 $0x880;
	s20 =	rddreg [dreg:$0xa]  }
0x21: {  	s0 =	ssub.s32 s22, s23;
	s4 =	simm.s32 $0xC00;
	s21 =	rddreg [dreg:$0xb]  }
0x22: {  	[tilespmem:s4], [sflag:$0x1] =	stream.indirect.gather [spmem:s3], $0x20, s9, s8, $0xb8;
	[tilespmem:$0x10C00] =	vst v63  }
0x23: {  	s17 =	simm.s32 $0x9C00;
	s0 =	smax.u32 s0, $0x1;
	s23 =	rddreg [dreg:$0xd]  }
0x24: {  	s18 =	simm.s32 $0x900;
	s31 =	sadd.s32 $0xFFFFFFFF, s0;
	s26 =	rddreg [dreg:$0xc]  }
0x25: {  	s19 =	simm.s32 $0xAC00;
	p1 =	sne.s32 s31, $0x0;
	s0 =	rddreg [dreg:$0xf]  }
0x26: {  	[tilespmem:s25], [sflag:$0x1] =	stream.indirect.gather [spmem:s3], $0x20, s24, s8, $0xb8;
	[tilespmem:$0x10C00] =	vst v63  }
.Ltmp0:
0x27: {  	s22 =	simm.s32 $0xA00;
	s6 =	rddreg [dreg:$0xe];
	(pc) =	sbr.rel @!p1 .LBB2_2-.Ltmp0, $4  }
0x28: {  	[tilespmem:s21], [sflag:$0x1] =	stream.indirect.gather [spmem:s3], $0x20, s20, s8, $0xb8;
	[tilespmem:$0x10C00] =	vst v63  }
0x29: {  	s24 =	simm.s32 $0xA80;
	s25 =	simm.s32 $0xDC00;
	s20 =	simm.s32 $0x980  }
0x2a: {  	[tilespmem:s23], [sflag:$0x1] =	stream.indirect.gather [spmem:s3], $0x20, s26, s8, $0xb8;
	[tilespmem:$0x10C00] =	vst v63  }
0x2b: {  	s21 =	simm.s32 $0xBC00;
	s23 =	simm.s32 $0xCC00;
	s26 =	simm.s32 $0xB00  }
.LBB2_1:
0x2c: {  	s10 =	rddreg [dreg:$0x11]  }
0x2d: {  	[tilespmem:s0], [sflag:$0x1] =	stream.indirect.gather [spmem:s3], $0x20, s6, s8, $0xb8;
	[tilespmem:$0x10C00] =	vst v63  }
0x2e: {  	s11 =	rddreg [dreg:$0x10]  }
0x2f: {  	[tilespmem:s10], [sflag:$0x1] =	stream.indirect.gather [spmem:s3], $0x20, s11, s8, $0xb8;
	[tilespmem:$0x10C00] =	vst v63  }
0x30: {  	s12 =	simm.s32 $0x6C00;
	s11 =	simm.s32 $0x700  }
0x31: {  	[tilespmem:s12], [sflag:$0x1] =	stream.indirect.gather [spmem:s3], $0x20, s11, s8, $0xb8;
	[tilespmem:$0x10C00] =	vst v63  }
0x32: {  	s10 =	simm.s32 $0x780  }
0x33: {  	[tilespmem:s13], [sflag:$0x1] =	stream.indirect.gather [spmem:s3], $0x20, s10, s8, $0xb8;
	[tilespmem:$0x10C00] =	vst v63  }
0x34: {  	_ = 	snop  }
0x35: {  	[tilespmem:s15], [sflag:$0x1] =	stream.indirect.gather [spmem:s3], $0x20, s14, s8, $0xb8;
	[tilespmem:$0x10C00] =	vst v63  }
0x36: {  	_ = 	snop  }
0x37: {  	[tilespmem:s17], [sflag:$0x1] =	stream.indirect.gather [spmem:s3], $0x20, s16, s8, $0xb8;
	[tilespmem:$0x10C00] =	vst v63  }
0x38: {  	_ = 	snop  }
0x39: {  	[tilespmem:s19], [sflag:$0x1] =	stream.indirect.gather [spmem:s3], $0x20, s18, s8, $0xb8;
	[tilespmem:$0x10C00] =	vst v63  }
0x3a: {  	_ = 	snop  }
0x3b: {  	[tilespmem:s21], [sflag:$0x1] =	stream.indirect.gather [spmem:s3], $0x20, s20, s8, $0xb8;
	[tilespmem:$0x10C00] =	vst v63  }
0x3c: {  	_ = 	snop  }
0x3d: {  	[tilespmem:s23], [sflag:$0x1] =	stream.indirect.gather [spmem:s3], $0x20, s22, s8, $0xb8;
	[tilespmem:$0x10C00] =	vst v63  }
0x3e: {  	_ = 	snop  }
0x3f: {  	[tilespmem:s25], [sflag:$0x1] =	stream.indirect.gather [spmem:s3], $0x20, s24, s8, $0xb8;
	[tilespmem:$0x10C00] =	vst v63  }
0x40: {  	_ = 	snop  }
0x41: {  	[tilespmem:s28], [sflag:$0x1] =	stream.indirect.gather [spmem:s3], $0x20, s26, s8, $0xb8;
	[tilespmem:$0x10C00] =	vst v63  }
0x42: {  	_ = 	snop  }
0x43: {  	[tilespmem:s30], [sflag:$0x1] =	stream.indirect.gather [spmem:s3], $0x20, s29, s8, $0xb8;
	[tilespmem:$0x10C00] =	vst v63  }
0x44: {  	_ =	swait.ge [sflag:s5], $0x1000  }
0x45: {  	[sflag:s5] =	ssyncset.done $0x0  }
0x46: {  	[sflag:s5] =	ssyncadd.s32 $0xFFFFF000  }
0x47: {  	_ =	swait.ge [sflag:s5], $0x1000  }
0x48: {  	[sflag:s5] =	ssyncset.done $0x0  }
0x49: {  	[sflag:s5] =	ssyncadd.s32 $0xFFFFF000  }
0x4a: {  	_ =	swait.ge [sflag:s5], $0x1000  }
0x4b: {  	[sflag:s5] =	ssyncset.done $0x0  }
0x4c: {  	[sflag:s5] =	ssyncadd.s32 $0xFFFFF000  }
0x4d: {  	_ =	swait.ge [sflag:s5], $0x1000  }
0x4e: {  	[sflag:s5] =	ssyncset.done $0x0  }
0x4f: {  	[sflag:s5] =	ssyncadd.s32 $0xFFFFF000  }
0x50: {  	_ =	swait.ge [sflag:s5], $0x1000  }
0x51: {  	[sflag:s5] =	ssyncset.done $0x0  }
0x52: {  	[sflag:s5] =	ssyncadd.s32 $0xFFFFF000  }
0x53: {  	_ =	swait.ge [sflag:s5], $0x1000  }
0x54: {  	[sflag:s5] =	ssyncset.done $0x0  }
0x55: {  	[sflag:s5] =	ssyncadd.s32 $0xFFFFF000  }
0x56: {  	_ =	swait.ge [sflag:s5], $0x1000  }
0x57: {  	[sflag:s5] =	ssyncset.done $0x0  }
0x58: {  	[sflag:s5] =	ssyncadd.s32 $0xFFFFF000  }
0x59: {  	_ =	swait.ge [sflag:s5], $0x1000  }
0x5a: {  	[sflag:s5] =	ssyncset.done $0x0  }
0x5b: {  	[sflag:s5] =	ssyncadd.s32 $0xFFFFF000  }
0x5c: {  	_ =	swait.ge [sflag:s5], $0x1000  }
0x5d: {  	[sflag:s5] =	ssyncset.done $0x0  }
0x5e: {  	[sflag:s5] =	ssyncadd.s32 $0xFFFFF000  }
0x5f: {  	_ =	swait.ge [sflag:s5], $0x1000  }
0x60: {  	[sflag:s5] =	ssyncset.done $0x0  }
0x61: {  	[sflag:s5] =	ssyncadd.s32 $0xFFFFF000  }
0x62: {  	_ =	swait.ge [sflag:s5], $0x1000  }
0x63: {  	[sflag:s5] =	ssyncset.done $0x0  }
0x64: {  	[sflag:s5] =	ssyncadd.s32 $0xFFFFF000  }
0x65: {  	_ =	swait.ge [sflag:s5], $0x1000  }
0x66: {  	[sflag:s5] =	ssyncset.done $0x0  }
0x67: {  	[sflag:s5] =	ssyncadd.s32 $0xFFFFF000  }
0x68: {  	_ =	swait.ge [sflag:s5], $0x1000  }
0x69: {  	[sflag:s5] =	ssyncset.done $0x0  }
0x6a: {  	[sflag:s5] =	ssyncadd.s32 $0xFFFFF000  }
0x6b: {  	_ =	swait.ge [sflag:s5], $0x1000  }
0x6c: {  	[sflag:s5] =	ssyncset.done $0x0  }
0x6d: {  	[sflag:s5] =	ssyncadd.s32 $0xFFFFF000  }
0x6e: {  	_ =	swait.ge [sflag:s5], $0x1000  }
0x6f: {  	[sflag:s5] =	ssyncset.done $0x0  }
0x70: {  	[sflag:s5] =	ssyncadd.s32 $0xFFFFF000  }
0x71: {  	_ =	swait.ge [sflag:s5], $0x1000  }
0x72: {  	[sflag:s5] =	ssyncset.done $0x0  }
0x73: {  	s11 =	rddreg [dreg:$0x6];
	[sflag:s5] =	ssyncadd.s32 $0xFFFFF000  }
0x74: {  	[hbm4b:s11+s1] =	stream.linear.scatter [tilespmem:s4], [sflag:$0x2], $0x10000, $0x38;
	[tilespmem:$0x10C00] =	vst v63  }
0x75: {  	_ =	swait.ge [sflag:s2], $0x10000  }
0x76: {  	s0 =	rddreg [dreg:$0x4];
	[sflag:s2] =	ssyncset.done $0x0  }
0x77: {  	s10 =	simm.s32 @!p0 $0x1C02;
	s6 =	rddreg [dreg:$0x7];
	[sflag:s2] =	ssyncadd.s32 $0xFFFF0000  }
0x78: {  	[spmem:s6], [sflag:s10] =	dma.local @!p0 [hbm:s0], $0x800  }
0x79: {  	_ =	swait.ge @!p0 [sflag:s7], $0x800  }
0x7a: {  	[sflag:s7] =	ssyncset.done @!p0 $0x0  }
0x7b: {  	s12 =	rddreg [dreg:$0x5];
	[sflag:s7] =	ssyncadd.s32 @!p0 $0xFFFFF800  }
0x7c: {  	[tilespmem:s9], [sflag:$0x2] =	stream.linear.gather [hbm4b:s12+s1], $0x800, $0x38;
	[tilespmem:$0x10C00] =	vst v63  }
0x7d: {  	_ =	swait.ge [sflag:s2], $0x800  }
0x7e: {  	[sflag:s2] =	ssyncset.done $0x0  }
0x7f: {  	[sflag:s2] =	ssyncadd.s32 $0xFFFFF800  }
0x80: {  	[bflag:$0x0] =	sbarrier.arrive $0xFFFF  }
0x81: {  	s0 =	rddreg [dreg:$0x8]  }
0x82: {  	s6 =	rddreg [dreg:$0x9]  }
0x83: {  	s10 =	rddreg [dreg:$0xa]  }
0x84: {  	s31 =	sadd.s32 $0xFFFFFFFF, s31;
	s11 =	rddreg [dreg:$0xb]  }
0x85: {  	[tilespmem:s4], [sflag:$0x1] =	stream.indirect.gather [spmem:s3], $0x20, s9, s8, $0xb8;
	[tilespmem:$0x10C00] =	vst v63  }
0x86: {  	p1 =	sne.s32 s31, $0x0;
	s12 =	rddreg [dreg:$0xd]  }
0x87: {  	[tilespmem:s6], [sflag:$0x1] =	stream.indirect.gather [spmem:s3], $0x20, s0, s8, $0xb8;
	[tilespmem:$0x10C00] =	vst v63  }
.Ltmp1:
0x88: {  	s6 =	rddreg [dreg:$0xc];
	(pc) =	sbr.rel @p1 .LBB2_1-.Ltmp1, $4  }
0x89: {  	[tilespmem:s11], [sflag:$0x1] =	stream.indirect.gather [spmem:s3], $0x20, s10, s8, $0xb8;
	[tilespmem:$0x10C00] =	vst v63  }
0x8a: {  	s0 =	rddreg [dreg:$0xf]  }
0x8b: {  	[tilespmem:s12], [sflag:$0x1] =	stream.indirect.gather [spmem:s3], $0x20, s6, s8, $0xb8;
	[tilespmem:$0x10C00] =	vst v63  }
0x8c: {  	s6 =	rddreg [dreg:$0xe]  }
.LBB2_2:
0x8d: {  	s7 =	rddreg [dreg:$0x11]  }
0x8e: {  	[tilespmem:s0], [sflag:$0x1] =	stream.indirect.gather [spmem:s3], $0x20, s6, s8, $0xb8;
	[tilespmem:$0x10C00] =	vst v63  }
0x8f: {  	s9 =	rddreg [dreg:$0x10]  }
0x90: {  	[tilespmem:s7], [sflag:$0x1] =	stream.indirect.gather [spmem:s3], $0x20, s9, s8, $0xb8;
	[tilespmem:$0x10C00] =	vst v63  }
0x91: {  	s10 =	simm.s32 $0x700;
	s11 =	simm.s32 $0x6C00  }
0x92: {  	[tilespmem:s11], [sflag:$0x1] =	stream.indirect.gather [spmem:s3], $0x20, s10, s8, $0xb8;
	[tilespmem:$0x10C00] =	vst v63  }
0x93: {  	s12 =	simm.s32 $0x780  }
0x94: {  	[tilespmem:s13], [sflag:$0x1] =	stream.indirect.gather [spmem:s3], $0x20, s12, s8, $0xb8;
	[tilespmem:$0x10C00] =	vst v63  }
0x95: {  	_ = 	snop  }
0x96: {  	[tilespmem:s15], [sflag:$0x1] =	stream.indirect.gather [spmem:s3], $0x20, s14, s8, $0xb8;
	[tilespmem:$0x10C00] =	vst v63  }
0x97: {  	_ = 	snop  }
0x98: {  	[tilespmem:s17], [sflag:$0x1] =	stream.indirect.gather [spmem:s3], $0x20, s16, s8, $0xb8;
	[tilespmem:$0x10C00] =	vst v63  }
0x99: {  	_ = 	snop  }
0x9a: {  	[tilespmem:s19], [sflag:$0x1] =	stream.indirect.gather [spmem:s3], $0x20, s18, s8, $0xb8;
	[tilespmem:$0x10C00] =	vst v63  }
0x9b: {  	_ = 	snop  }
0x9c: {  	[tilespmem:s21], [sflag:$0x1] =	stream.indirect.gather [spmem:s3], $0x20, s20, s8, $0xb8;
	[tilespmem:$0x10C00] =	vst v63  }
0x9d: {  	_ = 	snop  }
0x9e: {  	[tilespmem:s23], [sflag:$0x1] =	stream.indirect.gather [spmem:s3], $0x20, s22, s8, $0xb8;
	[tilespmem:$0x10C00] =	vst v63  }
0x9f: {  	_ = 	snop  }
0xa0: {  	[tilespmem:s25], [sflag:$0x1] =	stream.indirect.gather [spmem:s3], $0x20, s24, s8, $0xb8;
	[tilespmem:$0x10C00] =	vst v63  }
0xa1: {  	_ = 	snop  }
0xa2: {  	[tilespmem:s28], [sflag:$0x1] =	stream.indirect.gather [spmem:s3], $0x20, s26, s8, $0xb8;
	[tilespmem:$0x10C00] =	vst v63  }
0xa3: {  	_ = 	snop  }
0xa4: {  	[tilespmem:s30], [sflag:$0x1] =	stream.indirect.gather [spmem:s3], $0x20, s29, s8, $0xb8;
	[tilespmem:$0x10C00] =	vst v63  }
0xa5: {  	_ =	swait.ge [sflag:s5], $0x1000  }
0xa6: {  	[sflag:s5] =	ssyncset.done $0x0  }
0xa7: {  	[sflag:s5] =	ssyncadd.s32 $0xFFFFF000  }
0xa8: {  	_ =	swait.ge [sflag:s5], $0x1000  }
0xa9: {  	[sflag:s5] =	ssyncset.done $0x0  }
0xaa: {  	[sflag:s5] =	ssyncadd.s32 $0xFFFFF000  }
0xab: {  	_ =	swait.ge [sflag:s5], $0x1000  }
0xac: {  	[sflag:s5] =	ssyncset.done $0x0  }
0xad: {  	[sflag:s5] =	ssyncadd.s32 $0xFFFFF000  }
0xae: {  	_ =	swait.ge [sflag:s5], $0x1000  }
0xaf: {  	[sflag:s5] =	ssyncset.done $0x0  }
0xb0: {  	[sflag:s5] =	ssyncadd.s32 $0xFFFFF000  }
0xb1: {  	_ =	swait.ge [sflag:s5], $0x1000  }
0xb2: {  	[sflag:s5] =	ssyncset.done $0x0  }
0xb3: {  	[sflag:s5] =	ssyncadd.s32 $0xFFFFF000  }
0xb4: {  	_ =	swait.ge [sflag:s5], $0x1000  }
0xb5: {  	[sflag:s5] =	ssyncset.done $0x0  }
0xb6: {  	[sflag:s5] =	ssyncadd.s32 $0xFFFFF000  }
0xb7: {  	_ =	swait.ge [sflag:s5], $0x1000  }
0xb8: {  	[sflag:s5] =	ssyncset.done $0x0  }
0xb9: {  	[sflag:s5] =	ssyncadd.s32 $0xFFFFF000  }
0xba: {  	_ =	swait.ge [sflag:s5], $0x1000  }
0xbb: {  	[sflag:s5] =	ssyncset.done $0x0  }
0xbc: {  	[sflag:s5] =	ssyncadd.s32 $0xFFFFF000  }
0xbd: {  	_ =	swait.ge [sflag:s5], $0x1000  }
0xbe: {  	[sflag:s5] =	ssyncset.done $0x0  }
0xbf: {  	[sflag:s5] =	ssyncadd.s32 $0xFFFFF000  }
0xc0: {  	_ =	swait.ge [sflag:s5], $0x1000  }
0xc1: {  	[sflag:s5] =	ssyncset.done $0x0  }
0xc2: {  	[sflag:s5] =	ssyncadd.s32 $0xFFFFF000  }
0xc3: {  	_ =	swait.ge [sflag:s5], $0x1000  }
0xc4: {  	[sflag:s5] =	ssyncset.done $0x0  }
0xc5: {  	[sflag:s5] =	ssyncadd.s32 $0xFFFFF000  }
0xc6: {  	_ =	swait.ge [sflag:s5], $0x1000  }
0xc7: {  	[sflag:s5] =	ssyncset.done $0x0  }
0xc8: {  	[sflag:s5] =	ssyncadd.s32 $0xFFFFF000  }
0xc9: {  	_ =	swait.ge [sflag:s5], $0x1000  }
0xca: {  	[sflag:s5] =	ssyncset.done $0x0  }
0xcb: {  	[sflag:s5] =	ssyncadd.s32 $0xFFFFF000  }
0xcc: {  	_ =	swait.ge [sflag:s5], $0x1000  }
0xcd: {  	[sflag:s5] =	ssyncset.done $0x0  }
0xce: {  	[sflag:s5] =	ssyncadd.s32 $0xFFFFF000  }
0xcf: {  	_ =	swait.ge [sflag:s5], $0x1000  }
0xd0: {  	[sflag:s5] =	ssyncset.done $0x0  }
0xd1: {  	[sflag:s5] =	ssyncadd.s32 $0xFFFFF000  }
0xd2: {  	_ =	swait.ge [sflag:s5], $0x1000  }
0xd3: {  	[sflag:s5] =	ssyncset.done $0x0  }
0xd4: {  	s31 =	rddreg [dreg:$0x6];
	[sflag:s5] =	ssyncadd.s32 $0xFFFFF000  }
0xd5: {  	[hbm4b:s31+s1] =	stream.linear.scatter [tilespmem:s4], [sflag:$0x2], $0x10000, $0x38;
	[tilespmem:$0x10C00] =	vst v63  }
0xd6: {  	_ =	swait.ge [sflag:s2], $0x10000  }
0xd7: {  	[sflag:s2] =	ssyncset.done $0x0  }
0xd8: {  	[sflag:s2] =	ssyncadd.s32 $0xFFFF0000  }
0xd9: {  	_ =	sfence.sel $0x180000  }
0xda: {  	[bflag:$0x0] =	sbarrier.arrive $0xFFFF  }
0xdb: {  	_ =	strace $0x90000047  }
0xdc: {  	[bflag:$0x2] =	sbarrier.arrive $0xFFFF  }
0xdd: {  	s0 =	rddreg [dreg:$0x3]  }
0xde: {  	s0 =	sadd.s32 @!p0 $0x100000, s0  }
0xdf: {  	[sflag:s0] =	ssyncadd.tile.s32 @!p0 $0x1;
	_ =	shalt  }
.Lfunc_end2:
_tile_overlayer_lowered:
.L_overlay_start_2:
0xe0: {  	(tag) =	ssettag $0x2  }
0xe1: {  	s0 =	rddreg [dreg:$0x0];
	s2 =	stileid.u32  }
0xe2: {  	s1 =	rddreg [dreg:$0x1];
	p0 =	sne.s32 s2, $0x0  }
0xe3: {  	s3 =	rddreg [dreg:$0x2];
	[bflag:$0x3] =	sbarrier.arrive $0xFFFF;
	s2 =	simm.s32 @!p0 $0x1C02  }
0xe4: {  	[timem:s3], [sflag:s2] =	dma.local @!p0 [hbm:s0], s1  }
0xe5: {  	s0 =	simm.s32 @!p0 $0x2  }
0xe6: {  	_ =	swait.ge @!p0 [sflag:s0], s1  }
0xe7: {  	s1 =	ssub.s32 @!p0 $0x0, s1;
	[sflag:s0] =	ssyncset.done @!p0 $0x0  }
0xe8: {  	[sflag:s0] =	ssyncadd.s32 @!p0 s1  }
0xe9: {  	[bflag:$0x3] =	sbarrier.arrive $0xFFFF  }
0xea: {  	_ =	shalt  }

</sc_bundles>
